<compile_context>
chip_gen: v7x
topology: tpu7x:2x2x1
jax: 0.10.2.dev20260603
libtpu: 0.0.44.dev20260713+nightly
codegen_flags: <defaults>
</compile_context>

<pallas_src>
import functools

import jax
import jax.numpy as jnp
from jax import lax
from jax.experimental import pallas as pl
from jax.experimental.pallas import tpu as pltpu
from jax.experimental.pallas import tpu_sc as plsc

BATCH = 4096
EMBED_DIM = 64
TOPIC_SIZE = 128
TABLE_ROWS = 100000
PAIR_DIM = 2 * EMBED_DIM
SUP = 16384
HALF = SUP // 2
HBITS = 13
NSUP = -(-TABLE_ROWS // SUP)
PAIR_ROWS = NSUP * HALF

_info = plsc.get_sparse_core_info()
_NC, _NS = _info.num_cores, _info.num_subcores
_NW = _NC * _NS
_BPW = BATCH // _NW


def _tc_repack_body(t1_ref, t2_ref, out_ref):
    out_ref[...] = jnp.concatenate([t1_ref[...], t2_ref[...]], axis=0).T


def _tc_repack(table_t):
    return pl.pallas_call(
        _tc_repack_body,
        grid=(NSUP,),
        in_specs=[
            pl.BlockSpec((EMBED_DIM, HALF), lambda i: (0, 2 * i)),
            pl.BlockSpec((EMBED_DIM, HALF),
                         lambda i: (0, jnp.minimum(2 * i + 1,
                                                   TABLE_ROWS // HALF))),
        ],
        out_specs=pl.BlockSpec((HALF, PAIR_DIM), lambda i: (i, 0)),
        out_shape=jax.ShapeDtypeStruct((PAIR_ROWS, PAIR_DIM), jnp.float32),
    )(table_t, table_t)


def _sc_body(idx_hbm, tab2_hbm, out2_hbm, idx_v, pix_v, rows_v, sem):
    wid = lax.axis_index("s") * _NC + lax.axis_index("c")
    base = wid * _BPW
    pltpu.sync_copy(idx_hbm.at[pl.ds(base, _BPW)], idx_v)
    for j in range(_BPW // 16):
        r = idx_v[pl.ds(j * 16, 16)]
        pix_v[pl.ds(j * 16, 16)] = (
            ((r >> (HBITS + 1)) << HBITS) | (r & (HALF - 1)))
    pltpu.async_copy(tab2_hbm.at[pix_v], rows_v, sem).wait()
    pltpu.sync_copy(rows_v, out2_hbm.at[pl.ds(base, _BPW)])


_sc_gather = functools.partial(
    pl.kernel,
    mesh=plsc.VectorSubcoreMesh(core_axis_name="c", subcore_axis_name="s"),
    out_type=jax.ShapeDtypeStruct((BATCH, PAIR_DIM), jnp.float32),
    scratch_types=[
        pltpu.VMEM((_BPW,), jnp.int32),
        pltpu.VMEM((_BPW,), jnp.int32),
        pltpu.VMEM((_BPW, PAIR_DIM), jnp.float32),
        pltpu.SemaphoreType.DMA,
    ],
)(_sc_body)


def _tc_combine_body(users_ref, items_ref, ctx_ref, topic_ref,
                     eu2_ref, ei2_ref, out_ref):
    pu = ((users_ref[...] >> HBITS) & 1)[:, None] == 1
    pi = ((items_ref[...] >> HBITS) & 1)[:, None] == 1
    eu = jnp.where(pu, eu2_ref[:, EMBED_DIM:], eu2_ref[:, :EMBED_DIM])
    ei = jnp.where(pi, ei2_ref[:, EMBED_DIM:], ei2_ref[:, :EMBED_DIM])
    ctx = jnp.dot(ctx_ref[...], topic_ref[...],
                  preferred_element_type=jnp.float32)
    out_ref[...] = jnp.dot(eu * (ctx + ei), jnp.ones((EMBED_DIM,), jnp.float32),
                           preferred_element_type=jnp.float32)


def _tc_combine(users, items, item_ctx, topic_table, eu2, ei2):
    nblk = 2
    bs = BATCH // nblk
    return pl.pallas_call(
        _tc_combine_body,
        grid=(nblk,),
        in_specs=[
            pl.BlockSpec((bs,), lambda i: (i,)),
            pl.BlockSpec((bs,), lambda i: (i,)),
            pl.BlockSpec((bs, TOPIC_SIZE), lambda i: (i, 0)),
            pl.BlockSpec((TOPIC_SIZE, EMBED_DIM), lambda i: (0, 0)),
            pl.BlockSpec((bs, PAIR_DIM), lambda i: (i, 0)),
            pl.BlockSpec((bs, PAIR_DIM), lambda i: (i, 0)),
        ],
        out_specs=pl.BlockSpec((bs,), lambda i: (i,)),
        out_shape=jax.ShapeDtypeStruct((BATCH,), jnp.float32),
    )(users, items, item_ctx, topic_table, eu2, ei2)


@jax.jit
def kernel(users, items, item_ctx, user_table, item_table, topic_table):
    ut2 = _tc_repack(user_table.T)
    eu2 = _sc_gather(users, ut2)
    it2 = _tc_repack(item_table.T)
    ei2 = _sc_gather(items, it2)
    return _tc_combine(users, items, item_ctx, topic_table, eu2, ei2)

# --- scband reference (transcript-rebuilt; emitter-appended) ---
"""Pipeline reference for scband-model-mf-11373073400123 (READ-ONLY COPY).

The authoritative reference and input builder live on the scoring server;
editing this copy changes nothing except your own understanding.
"""

import jax, jax.numpy as jnp
import numpy as np

USER_SIZE = 100000
ITEM_SIZE = 100000
EMBED_DIM = 64
TOPIC_SIZE = 128
BATCH = 4096

def setup_inputs(seed: int = 0) -> dict:
    key = jax.random.key(seed)
    k1, k2, k3, k4, k5, k6 = jax.random.split(key, 6)
    users = jax.random.randint(k1, (BATCH,), 0, USER_SIZE, dtype=jnp.int64 if jax.config.read('jax_enable_x64') else jnp.int32).astype(jnp.int32)
    items = jax.random.randint(k2, (BATCH,), 0, ITEM_SIZE).astype(jnp.int32)
    item_ctx = jax.random.normal(k3, (BATCH, TOPIC_SIZE), dtype=jnp.float32)
    user_table = jax.random.normal(k4, (USER_SIZE, EMBED_DIM), dtype=jnp.float32) * 0.02
    item_table = jax.random.normal(k5, (ITEM_SIZE, EMBED_DIM), dtype=jnp.float32) * 0.02
    # torch.rand -> uniform [0,1)
    topic_table = jax.random.uniform(k6, (TOPIC_SIZE, EMBED_DIM), dtype=jnp.float32)
    return {"users": users, "items": items, "item_ctx": item_ctx,
            "user_table": user_table, "item_table": item_table, "topic_table": topic_table}

def reference(users, items, item_ctx, user_table, item_table, topic_table):
    embedded_user = jnp.take(user_table, users, axis=0)
    embedded_item = jnp.take(item_table, items, axis=0)
    embedded_ctx = jnp.matmul(item_ctx, topic_table)
    pred = jnp.sum(embedded_user * embedded_ctx, axis=1)
    pred = pred + jnp.sum(embedded_item * embedded_user, axis=1)
    return pred

if __name__ == "__main__":
    import jax
    _d = setup_inputs()
    print(jax.jit(kernel)(*tuple(_d.values())))

</pallas_src>

<mosaic_0001>
#map = affine_map<(d0, d1) -> (0)>
#map1 = affine_map<(d0, d1) -> (0, 0)>
module attributes {stable_mosaic.version = 14 : i64} {
  func.func @_sc_body(%arg0: i32, %arg1: i32, %arg2: memref<4096xi32, #tpu.memory_space<hbm>>, %arg3: memref<57344x128xf32, #tpu.memory_space<hbm>>, %arg4: memref<4096x128xf32, #tpu.memory_space<hbm>>, %arg5: memref<128xi32, #tpu.memory_space<vmem>>, %arg6: memref<128xi32, #tpu.memory_space<vmem>>, %arg7: memref<128x128xf32, #tpu.memory_space<vmem>>, %arg8: memref<!tpu.dma_semaphore, #tpu.memory_space<semaphore_mem>>) attributes {dimension_semantics = [#tpu.dimension_semantics<core_parallel>, #tpu.dimension_semantics<subcore_parallel>], iteration_bounds = array<i64: 2, 16>, scalar_prefetch = 0 : i64, scratch_operands = 4 : i64, tpu.core_type = #tpu.core_type<sc_vector_subcore>, window_params = [{transform_indices = #map}, {transform_indices = #map1}, {transform_indices = #map1}]} {
    %mul3A = arith.constant 2 : i32
    %mul3A_0 = arith.muli %arg1, %mul3A : i32
    %add3A = arith.addi %mul3A_0, %arg0 : i32
    %mul3A_1 = arith.constant 128 : i32
    %mul3A_2 = arith.muli %add3A, %mul3A_1 : i32
    "tpu.region"() ({
      %run_scoped3A = tpu.sem_alloc : memref<!tpu.dma_semaphore, #tpu.memory_space<semaphore_mem>>
      %dma_start3A_137 = tpu.memref_slice %arg2[%mul3A_2] : memref<4096xi32, #tpu.memory_space<hbm>> -> memref<128xi32, #tpu.memory_space<hbm>>
      %dma_start3A_138 = tpu.memref_slice %arg2[%mul3A_2] : memref<4096xi32, #tpu.memory_space<hbm>> -> memref<128xi32, #tpu.memory_space<hbm>>
      tpu.enqueue_dma source(%dma_start3A_138 : memref<128xi32, #tpu.memory_space<hbm>>) target(%arg5 : memref<128xi32, #tpu.memory_space<vmem>>) target_semaphore(%run_scoped3A : memref<!tpu.dma_semaphore, #tpu.memory_space<semaphore_mem>>)
      %dma_wait3A_139 = tpu.memref_slice %arg2[%mul3A_2] : memref<4096xi32, #tpu.memory_space<hbm>> -> memref<128xi32, #tpu.memory_space<hbm>>
      %dma_wait3A_140 = tpu.memref_slice %arg2[%mul3A_2] : memref<4096xi32, #tpu.memory_space<hbm>> -> memref<128xi32, #tpu.memory_space<hbm>>
      tpu.wait_dma2 semaphore(%run_scoped3A : memref<!tpu.dma_semaphore, #tpu.memory_space<semaphore_mem>>) src(%dma_wait3A_140 : memref<128xi32, #tpu.memory_space<hbm>>) dst(%arg5 : memref<128xi32, #tpu.memory_space<vmem>>)
      tpu.yield
    }) : () -> ()
    %get3A = arith.constant 0 : index
    %get3A_3 = tpu.vector_load %arg5[%get3A] {strides = array<i32>} : memref<128xi32, #tpu.memory_space<vmem>>, vector<16xi32>,
    %get3A_4 = vector.shape_cast %get3A_3 : vector<16xi32> to vector<16xi32>
    %shift_right_arithmetic3A = arith.constant 14 : i32
    %shift_right_arithmetic3A_5 = vector.broadcast %shift_right_arithmetic3A : i32 to vector<16xi32>
    %shift_right_arithmetic3A_6 = arith.shrsi %get3A_4, %shift_right_arithmetic3A_5 : vector<16xi32>
    %shift_left3A = arith.constant 13 : i32
    %shift_left3A_7 = vector.broadcast %shift_left3A : i32 to vector<16xi32>
    %shift_left3A_8 = arith.shli %shift_right_arithmetic3A_6, %shift_left3A_7 : vector<16xi32>
    %and3A = arith.constant 8191 : i32
    %and3A_9 = vector.broadcast %and3A : i32 to vector<16xi32>
    %and3A_10 = arith.andi %get3A_4, %and3A_9 : vector<16xi32>
    %or3A = arith.ori %shift_left3A_8, %and3A_10 : vector<16xi32>
    %swap3A = arith.constant 0 : index
    %swap3A_11 = tpu.vector_load %arg6[%swap3A] {strides = array<i32>} : memref<128xi32, #tpu.memory_space<vmem>>, vector<16xi32>,
    %swap3A_12 = vector.shape_cast %swap3A_11 : vector<16xi32> to vector<16xi32>
    %swap3A_13 = vector.shape_cast %or3A : vector<16xi32> to vector<16xi32>
    tpu.vector_store %arg6[%swap3A], %swap3A_13 {strides = array<i32>} : memref<128xi32, #tpu.memory_space<vmem>>, vector<16xi32>,
    %get3A_14 = arith.constant 16 : index
    %get3A_15 = tpu.vector_load %arg5[%get3A_14] {strides = array<i32>} : memref<128xi32, #tpu.memory_space<vmem>>, vector<16xi32>,
    %get3A_16 = vector.shape_cast %get3A_15 : vector<16xi32> to vector<16xi32>
    %shift_right_arithmetic3A_17 = arith.constant 14 : i32
    %shift_right_arithmetic3A_18 = vector.broadcast %shift_right_arithmetic3A_17 : i32 to vector<16xi32>
    %shift_right_arithmetic3A_19 = arith.shrsi %get3A_16, %shift_right_arithmetic3A_18 : vector<16xi32>
    %shift_left3A_20 = arith.constant 13 : i32
    %shift_left3A_21 = vector.broadcast %shift_left3A_20 : i32 to vector<16xi32>
    %shift_left3A_22 = arith.shli %shift_right_arithmetic3A_19, %shift_left3A_21 : vector<16xi32>
    %and3A_23 = arith.constant 8191 : i32
    %and3A_24 = vector.broadcast %and3A_23 : i32 to vector<16xi32>
    %and3A_25 = arith.andi %get3A_16, %and3A_24 : vector<16xi32>
    %or3A_26 = arith.ori %shift_left3A_22, %and3A_25 : vector<16xi32>
    %swap3A_27 = arith.constant 16 : index
    %swap3A_28 = tpu.vector_load %arg6[%swap3A_27] {strides = array<i32>} : memref<128xi32, #tpu.memory_space<vmem>>, vector<16xi32>,
    %swap3A_29 = vector.shape_cast %swap3A_28 : vector<16xi32> to vector<16xi32>
    %swap3A_30 = vector.shape_cast %or3A_26 : vector<16xi32> to vector<16xi32>
    tpu.vector_store %arg6[%swap3A_27], %swap3A_30 {strides = array<i32>} : memref<128xi32, #tpu.memory_space<vmem>>, vector<16xi32>,
    %get3A_31 = arith.constant 32 : index
    %get3A_32 = tpu.vector_load %arg5[%get3A_31] {strides = array<i32>} : memref<128xi32, #tpu.memory_space<vmem>>, vector<16xi32>,
    %get3A_33 = vector.shape_cast %get3A_32 : vector<16xi32> to vector<16xi32>
    %shift_right_arithmetic3A_34 = arith.constant 14 : i32
    %shift_right_arithmetic3A_35 = vector.broadcast %shift_right_arithmetic3A_34 : i32 to vector<16xi32>
    %shift_right_arithmetic3A_36 = arith.shrsi %get3A_33, %shift_right_arithmetic3A_35 : vector<16xi32>
    %shift_left3A_37 = arith.constant 13 : i32
    %shift_left3A_38 = vector.broadcast %shift_left3A_37 : i32 to vector<16xi32>
    %shift_left3A_39 = arith.shli %shift_right_arithmetic3A_36, %shift_left3A_38 : vector<16xi32>
    %and3A_40 = arith.constant 8191 : i32
    %and3A_41 = vector.broadcast %and3A_40 : i32 to vector<16xi32>
    %and3A_42 = arith.andi %get3A_33, %and3A_41 : vector<16xi32>
    %or3A_43 = arith.ori %shift_left3A_39, %and3A_42 : vector<16xi32>
    %swap3A_44 = arith.constant 32 : index
    %swap3A_45 = tpu.vector_load %arg6[%swap3A_44] {strides = array<i32>} : memref<128xi32, #tpu.memory_space<vmem>>, vector<16xi32>,
    %swap3A_46 = vector.shape_cast %swap3A_45 : vector<16xi32> to vector<16xi32>
    %swap3A_47 = vector.shape_cast %or3A_43 : vector<16xi32> to vector<16xi32>
    tpu.vector_store %arg6[%swap3A_44], %swap3A_47 {strides = array<i32>} : memref<128xi32, #tpu.memory_space<vmem>>, vector<16xi32>,
    %get3A_48 = arith.constant 48 : index
    %get3A_49 = tpu.vector_load %arg5[%get3A_48] {strides = array<i32>} : memref<128xi32, #tpu.memory_space<vmem>>, vector<16xi32>,
    %get3A_50 = vector.shape_cast %get3A_49 : vector<16xi32> to vector<16xi32>
    %shift_right_arithmetic3A_51 = arith.constant 14 : i32
    %shift_right_arithmetic3A_52 = vector.broadcast %shift_right_arithmetic3A_51 : i32 to vector<16xi32>
    %shift_right_arithmetic3A_53 = arith.shrsi %get3A_50, %shift_right_arithmetic3A_52 : vector<16xi32>
    %shift_left3A_54 = arith.constant 13 : i32
    %shift_left3A_55 = vector.broadcast %shift_left3A_54 : i32 to vector<16xi32>
    %shift_left3A_56 = arith.shli %shift_right_arithmetic3A_53, %shift_left3A_55 : vector<16xi32>
    %and3A_57 = arith.constant 8191 : i32
    %and3A_58 = vector.broadcast %and3A_57 : i32 to vector<16xi32>
    %and3A_59 = arith.andi %get3A_50, %and3A_58 : vector<16xi32>
    %or3A_60 = arith.ori %shift_left3A_56, %and3A_59 : vector<16xi32>
    %swap3A_61 = arith.constant 48 : index
    %swap3A_62 = tpu.vector_load %arg6[%swap3A_61] {strides = array<i32>} : memref<128xi32, #tpu.memory_space<vmem>>, vector<16xi32>,
    %swap3A_63 = vector.shape_cast %swap3A_62 : vector<16xi32> to vector<16xi32>
    %swap3A_64 = vector.shape_cast %or3A_60 : vector<16xi32> to vector<16xi32>
    tpu.vector_store %arg6[%swap3A_61], %swap3A_64 {strides = array<i32>} : memref<128xi32, #tpu.memory_space<vmem>>, vector<16xi32>,
    %get3A_65 = arith.constant 64 : index
    %get3A_66 = tpu.vector_load %arg5[%get3A_65] {strides = array<i32>} : memref<128xi32, #tpu.memory_space<vmem>>, vector<16xi32>,
    %get3A_67 = vector.shape_cast %get3A_66 : vector<16xi32> to vector<16xi32>
    %shift_right_arithmetic3A_68 = arith.constant 14 : i32
    %shift_right_arithmetic3A_69 = vector.broadcast %shift_right_arithmetic3A_68 : i32 to vector<16xi32>
    %shift_right_arithmetic3A_70 = arith.shrsi %get3A_67, %shift_right_arithmetic3A_69 : vector<16xi32>
    %shift_left3A_71 = arith.constant 13 : i32
    %shift_left3A_72 = vector.broadcast %shift_left3A_71 : i32 to vector<16xi32>
    %shift_left3A_73 = arith.shli %shift_right_arithmetic3A_70, %shift_left3A_72 : vector<16xi32>
    %and3A_74 = arith.constant 8191 : i32
    %and3A_75 = vector.broadcast %and3A_74 : i32 to vector<16xi32>
    %and3A_76 = arith.andi %get3A_67, %and3A_75 : vector<16xi32>
    %or3A_77 = arith.ori %shift_left3A_73, %and3A_76 : vector<16xi32>
    %swap3A_78 = arith.constant 64 : index
    %swap3A_79 = tpu.vector_load %arg6[%swap3A_78] {strides = array<i32>} : memref<128xi32, #tpu.memory_space<vmem>>, vector<16xi32>,
    %swap3A_80 = vector.shape_cast %swap3A_79 : vector<16xi32> to vector<16xi32>
    %swap3A_81 = vector.shape_cast %or3A_77 : vector<16xi32> to vector<16xi32>
    tpu.vector_store %arg6[%swap3A_78], %swap3A_81 {strides = array<i32>} : memref<128xi32, #tpu.memory_space<vmem>>, vector<16xi32>,
    %get3A_82 = arith.constant 80 : index
    %get3A_83 = tpu.vector_load %arg5[%get3A_82] {strides = array<i32>} : memref<128xi32, #tpu.memory_space<vmem>>, vector<16xi32>,
    %get3A_84 = vector.shape_cast %get3A_83 : vector<16xi32> to vector<16xi32>
    %shift_right_arithmetic3A_85 = arith.constant 14 : i32
    %shift_right_arithmetic3A_86 = vector.broadcast %shift_right_arithmetic3A_85 : i32 to vector<16xi32>
    %shift_right_arithmetic3A_87 = arith.shrsi %get3A_84, %shift_right_arithmetic3A_86 : vector<16xi32>
    %shift_left3A_88 = arith.constant 13 : i32
    %shift_left3A_89 = vector.broadcast %shift_left3A_88 : i32 to vector<16xi32>
    %shift_left3A_90 = arith.shli %shift_right_arithmetic3A_87, %shift_left3A_89 : vector<16xi32>
    %and3A_91 = arith.constant 8191 : i32
    %and3A_92 = vector.broadcast %and3A_91 : i32 to vector<16xi32>
    %and3A_93 = arith.andi %get3A_84, %and3A_92 : vector<16xi32>
    %or3A_94 = arith.ori %shift_left3A_90, %and3A_93 : vector<16xi32>
    %swap3A_95 = arith.constant 80 : index
    %swap3A_96 = tpu.vector_load %arg6[%swap3A_95] {strides = array<i32>} : memref<128xi32, #tpu.memory_space<vmem>>, vector<16xi32>,
    %swap3A_97 = vector.shape_cast %swap3A_96 : vector<16xi32> to vector<16xi32>
    %swap3A_98 = vector.shape_cast %or3A_94 : vector<16xi32> to vector<16xi32>
    tpu.vector_store %arg6[%swap3A_95], %swap3A_98 {strides = array<i32>} : memref<128xi32, #tpu.memory_space<vmem>>, vector<16xi32>,
    %get3A_99 = arith.constant 96 : index
    %get3A_100 = tpu.vector_load %arg5[%get3A_99] {strides = array<i32>} : memref<128xi32, #tpu.memory_space<vmem>>, vector<16xi32>,
    %get3A_101 = vector.shape_cast %get3A_100 : vector<16xi32> to vector<16xi32>
    %shift_right_arithmetic3A_102 = arith.constant 14 : i32
    %shift_right_arithmetic3A_103 = vector.broadcast %shift_right_arithmetic3A_102 : i32 to vector<16xi32>
    %shift_right_arithmetic3A_104 = arith.shrsi %get3A_101, %shift_right_arithmetic3A_103 : vector<16xi32>
    %shift_left3A_105 = arith.constant 13 : i32
    %shift_left3A_106 = vector.broadcast %shift_left3A_105 : i32 to vector<16xi32>
    %shift_left3A_107 = arith.shli %shift_right_arithmetic3A_104, %shift_left3A_106 : vector<16xi32>
    %and3A_108 = arith.constant 8191 : i32
    %and3A_109 = vector.broadcast %and3A_108 : i32 to vector<16xi32>
    %and3A_110 = arith.andi %get3A_101, %and3A_109 : vector<16xi32>
    %or3A_111 = arith.ori %shift_left3A_107, %and3A_110 : vector<16xi32>
    %swap3A_112 = arith.constant 96 : index
    %swap3A_113 = tpu.vector_load %arg6[%swap3A_112] {strides = array<i32>} : memref<128xi32, #tpu.memory_space<vmem>>, vector<16xi32>,
    %swap3A_114 = vector.shape_cast %swap3A_113 : vector<16xi32> to vector<16xi32>
    %swap3A_115 = vector.shape_cast %or3A_111 : vector<16xi32> to vector<16xi32>
    tpu.vector_store %arg6[%swap3A_112], %swap3A_115 {strides = array<i32>} : memref<128xi32, #tpu.memory_space<vmem>>, vector<16xi32>,
    %get3A_116 = arith.constant 112 : index
    %get3A_117 = tpu.vector_load %arg5[%get3A_116] {strides = array<i32>} : memref<128xi32, #tpu.memory_space<vmem>>, vector<16xi32>,
    %get3A_118 = vector.shape_cast %get3A_117 : vector<16xi32> to vector<16xi32>
    %shift_right_arithmetic3A_119 = arith.constant 14 : i32
    %shift_right_arithmetic3A_120 = vector.broadcast %shift_right_arithmetic3A_119 : i32 to vector<16xi32>
    %shift_right_arithmetic3A_121 = arith.shrsi %get3A_118, %shift_right_arithmetic3A_120 : vector<16xi32>
    %shift_left3A_122 = arith.constant 13 : i32
    %shift_left3A_123 = vector.broadcast %shift_left3A_122 : i32 to vector<16xi32>
    %shift_left3A_124 = arith.shli %shift_right_arithmetic3A_121, %shift_left3A_123 : vector<16xi32>
    %and3A_125 = arith.constant 8191 : i32
    %and3A_126 = vector.broadcast %and3A_125 : i32 to vector<16xi32>
    %and3A_127 = arith.andi %get3A_118, %and3A_126 : vector<16xi32>
    %or3A_128 = arith.ori %shift_left3A_124, %and3A_127 : vector<16xi32>
    %swap3A_129 = arith.constant 112 : index
    %swap3A_130 = tpu.vector_load %arg6[%swap3A_129] {strides = array<i32>} : memref<128xi32, #tpu.memory_space<vmem>>, vector<16xi32>,
    %swap3A_131 = vector.shape_cast %swap3A_130 : vector<16xi32> to vector<16xi32>
    %swap3A_132 = vector.shape_cast %or3A_128 : vector<16xi32> to vector<16xi32>
    tpu.vector_store %arg6[%swap3A_129], %swap3A_132 {strides = array<i32>} : memref<128xi32, #tpu.memory_space<vmem>>, vector<16xi32>,
    %dma_start3A = arith.constant 0 : i32
    %dma_start3A_133 = arith.constant 0 : i32
    %dma_start3A_134 = tpu.memref_slice %arg3[%dma_start3A, %dma_start3A_133] : memref<57344x128xf32, #tpu.memory_space<hbm>> -> memref<57344x128xf32, #tpu.memory_space<hbm>>
    tpu.enqueue_indirect_dma source(%dma_start3A_134 : memref<57344x128xf32, #tpu.memory_space<hbm>>) target(%arg7 : memref<128x128xf32, #tpu.memory_space<vmem>>) offsets(%arg6 : memref<128xi32, #tpu.memory_space<vmem>>) semaphore(%arg8 : memref<!tpu.dma_semaphore, #tpu.memory_space<semaphore_mem>>)
    %dma_wait3A = arith.constant 0 : i32
    %dma_wait3A_135 = arith.constant 0 : i32
    %dma_wait3A_136 = tpu.memref_slice %arg3[%dma_wait3A, %dma_wait3A_135] : memref<57344x128xf32, #tpu.memory_space<hbm>> -> memref<57344x128xf32, #tpu.memory_space<hbm>>
    tpu.wait_indirect_dma semaphore(%arg8 : memref<!tpu.dma_semaphore, #tpu.memory_space<semaphore_mem>>) src(%dma_wait3A_136 : memref<57344x128xf32, #tpu.memory_space<hbm>>) dst(%arg7 : memref<128x128xf32, #tpu.memory_space<vmem>>)
    "tpu.region"() ({
      %run_scoped3A = tpu.sem_alloc : memref<!tpu.dma_semaphore, #tpu.memory_space<semaphore_mem>>
      %dma_start3A_137 = arith.constant 0 : i32
      %dma_start3A_138 = tpu.memref_slice %arg4[%mul3A_2, %dma_start3A_137] : memref<4096x128xf32, #tpu.memory_space<hbm>> -> memref<128x128xf32, #tpu.memory_space<hbm>>
      %dma_start3A_139 = arith.constant 0 : i32
      %dma_start3A_140 = tpu.memref_slice %arg4[%mul3A_2, %dma_start3A_139] : memref<4096x128xf32, #tpu.memory_space<hbm>> -> memref<128x128xf32, #tpu.memory_space<hbm>>
      tpu.enqueue_dma source(%arg7 : memref<128x128xf32, #tpu.memory_space<vmem>>) target(%dma_start3A_140 : memref<128x128xf32, #tpu.memory_space<hbm>>) target_semaphore(%run_scoped3A : memref<!tpu.dma_semaphore, #tpu.memory_space<semaphore_mem>>)
      %dma_wait3A_141 = arith.constant 0 : i32
      %dma_wait3A_142 = tpu.memref_slice %arg4[%mul3A_2, %dma_wait3A_141] : memref<4096x128xf32, #tpu.memory_space<hbm>> -> memref<128x128xf32, #tpu.memory_space<hbm>>
      %dma_wait3A_143 = arith.constant 0 : i32
      %dma_wait3A_144 = tpu.memref_slice %arg4[%mul3A_2, %dma_wait3A_143] : memref<4096x128xf32, #tpu.memory_space<hbm>> -> memref<128x128xf32, #tpu.memory_space<hbm>>
      tpu.wait_dma2 semaphore(%run_scoped3A : memref<!tpu.dma_semaphore, #tpu.memory_space<semaphore_mem>>) src(%arg7 : memref<128x128xf32, #tpu.memory_space<vmem>>) dst(%dma_wait3A_144 : memref<128x128xf32, #tpu.memory_space<hbm>>)
      tpu.yield
    }) : () -> ()
    return
  }
}

#map = affine_map<(d0, d1) -> (0)>
#map1 = affine_map<(d0, d1) -> (0, 0)>
module attributes {stable_mosaic.version = 14 : i64} {
  func.func @_sc_body(%arg0: i32, %arg1: i32, %arg2: memref<4096xi32, #tpu.memory_space<hbm>>, %arg3: memref<57344x128xf32, #tpu.memory_space<hbm>>, %arg4: memref<4096x128xf32, #tpu.memory_space<hbm>>, %arg5: memref<128xi32, #tpu.memory_space<vmem>>, %arg6: memref<128xi32, #tpu.memory_space<vmem>>, %arg7: memref<128x128xf32, #tpu.memory_space<vmem>>, %arg8: memref<!tpu.dma_semaphore, #tpu.memory_space<semaphore_mem>>) attributes {dimension_semantics = [#tpu.dimension_semantics<core_parallel>, #tpu.dimension_semantics<subcore_parallel>], iteration_bounds = array<i64: 2, 16>, scalar_prefetch = 0 : i64, scratch_operands = 4 : i64, tpu.core_type = #tpu.core_type<sc_vector_subcore>, window_params = [{transform_indices = #map}, {transform_indices = #map1}, {transform_indices = #map1}]} {
    %mul3A = arith.constant 2 : i32
    %mul3A_0 = arith.muli %arg1, %mul3A : i32
    %add3A = arith.addi %mul3A_0, %arg0 : i32
    %mul3A_1 = arith.constant 128 : i32
    %mul3A_2 = arith.muli %add3A, %mul3A_1 : i32
    "tpu.region"() ({
      %run_scoped3A = tpu.sem_alloc : memref<!tpu.dma_semaphore, #tpu.memory_space<semaphore_mem>>
      %dma_start3A_137 = tpu.memref_slice %arg2[%mul3A_2] : memref<4096xi32, #tpu.memory_space<hbm>> -> memref<128xi32, #tpu.memory_space<hbm>>
      %dma_start3A_138 = tpu.memref_slice %arg2[%mul3A_2] : memref<4096xi32, #tpu.memory_space<hbm>> -> memref<128xi32, #tpu.memory_space<hbm>>
      tpu.enqueue_dma source(%dma_start3A_138 : memref<128xi32, #tpu.memory_space<hbm>>) target(%arg5 : memref<128xi32, #tpu.memory_space<vmem>>) target_semaphore(%run_scoped3A : memref<!tpu.dma_semaphore, #tpu.memory_space<semaphore_mem>>)
      %dma_wait3A_139 = tpu.memref_slice %arg2[%mul3A_2] : memref<4096xi32, #tpu.memory_space<hbm>> -> memref<128xi32, #tpu.memory_space<hbm>>
      %dma_wait3A_140 = tpu.memref_slice %arg2[%mul3A_2] : memref<4096xi32, #tpu.memory_space<hbm>> -> memref<128xi32, #tpu.memory_space<hbm>>
      tpu.wait_dma2 semaphore(%run_scoped3A : memref<!tpu.dma_semaphore, #tpu.memory_space<semaphore_mem>>) src(%dma_wait3A_140 : memref<128xi32, #tpu.memory_space<hbm>>) dst(%arg5 : memref<128xi32, #tpu.memory_space<vmem>>)
      tpu.yield
    }) : () -> ()
    %get3A = arith.constant 0 : index
    %get3A_3 = tpu.vector_load %arg5[%get3A] {strides = array<i32>} : memref<128xi32, #tpu.memory_space<vmem>>, vector<16xi32>,
    %get3A_4 = vector.shape_cast %get3A_3 : vector<16xi32> to vector<16xi32>
    %shift_right_arithmetic3A = arith.constant 14 : i32
    %shift_right_arithmetic3A_5 = vector.broadcast %shift_right_arithmetic3A : i32 to vector<16xi32>
    %shift_right_arithmetic3A_6 = arith.shrsi %get3A_4, %shift_right_arithmetic3A_5 : vector<16xi32>
    %shift_left3A = arith.constant 13 : i32
    %shift_left3A_7 = vector.broadcast %shift_left3A : i32 to vector<16xi32>
    %shift_left3A_8 = arith.shli %shift_right_arithmetic3A_6, %shift_left3A_7 : vector<16xi32>
    %and3A = arith.constant 8191 : i32
    %and3A_9 = vector.broadcast %and3A : i32 to vector<16xi32>
    %and3A_10 = arith.andi %get3A_4, %and3A_9 : vector<16xi32>
    %or3A = arith.ori %shift_left3A_8, %and3A_10 : vector<16xi32>
    %swap3A = arith.constant 0 : index
    %swap3A_11 = tpu.vector_load %arg6[%swap3A] {strides = array<i32>} : memref<128xi32, #tpu.memory_space<vmem>>, vector<16xi32>,
    %swap3A_12 = vector.shape_cast %swap3A_11 : vector<16xi32> to vector<16xi32>
    %swap3A_13 = vector.shape_cast %or3A : vector<16xi32> to vector<16xi32>
    tpu.vector_store %arg6[%swap3A], %swap3A_13 {strides = array<i32>} : memref<128xi32, #tpu.memory_space<vmem>>, vector<16xi32>,
    %get3A_14 = arith.constant 16 : index
    %get3A_15 = tpu.vector_load %arg5[%get3A_14] {strides = array<i32>} : memref<128xi32, #tpu.memory_space<vmem>>, vector<16xi32>,
    %get3A_16 = vector.shape_cast %get3A_15 : vector<16xi32> to vector<16xi32>
    %shift_right_arithmetic3A_17 = arith.constant 14 : i32
    %shift_right_arithmetic3A_18 = vector.broadcast %shift_right_arithmetic3A_17 : i32 to vector<16xi32>
    %shift_right_arithmetic3A_19 = arith.shrsi %get3A_16, %shift_right_arithmetic3A_18 : vector<16xi32>
    %shift_left3A_20 = arith.constant 13 : i32
    %shift_left3A_21 = vector.broadcast %shift_left3A_20 : i32 to vector<16xi32>
    %shift_left3A_22 = arith.shli %shift_right_arithmetic3A_19, %shift_left3A_21 : vector<16xi32>
    %and3A_23 = arith.constant 8191 : i32
    %and3A_24 = vector.broadcast %and3A_23 : i32 to vector<16xi32>
    %and3A_25 = arith.andi %get3A_16, %and3A_24 : vector<16xi32>
    %or3A_26 = arith.ori %shift_left3A_22, %and3A_25 : vector<16xi32>
    %swap3A_27 = arith.constant 16 : index
    %swap3A_28 = tpu.vector_load %arg6[%swap3A_27] {strides = array<i32>} : memref<128xi32, #tpu.memory_space<vmem>>, vector<16xi32>,
    %swap3A_29 = vector.shape_cast %swap3A_28 : vector<16xi32> to vector<16xi32>
    %swap3A_30 = vector.shape_cast %or3A_26 : vector<16xi32> to vector<16xi32>
    tpu.vector_store %arg6[%swap3A_27], %swap3A_30 {strides = array<i32>} : memref<128xi32, #tpu.memory_space<vmem>>, vector<16xi32>,
    %get3A_31 = arith.constant 32 : index
    %get3A_32 = tpu.vector_load %arg5[%get3A_31] {strides = array<i32>} : memref<128xi32, #tpu.memory_space<vmem>>, vector<16xi32>,
    %get3A_33 = vector.shape_cast %get3A_32 : vector<16xi32> to vector<16xi32>
    %shift_right_arithmetic3A_34 = arith.constant 14 : i32
    %shift_right_arithmetic3A_35 = vector.broadcast %shift_right_arithmetic3A_34 : i32 to vector<16xi32>
    %shift_right_arithmetic3A_36 = arith.shrsi %get3A_33, %shift_right_arithmetic3A_35 : vector<16xi32>
    %shift_left3A_37 = arith.constant 13 : i32
    %shift_left3A_38 = vector.broadcast %shift_left3A_37 : i32 to vector<16xi32>
    %shift_left3A_39 = arith.shli %shift_right_arithmetic3A_36, %shift_left3A_38 : vector<16xi32>
    %and3A_40 = arith.constant 8191 : i32
    %and3A_41 = vector.broadcast %and3A_40 : i32 to vector<16xi32>
    %and3A_42 = arith.andi %get3A_33, %and3A_41 : vector<16xi32>
    %or3A_43 = arith.ori %shift_left3A_39, %and3A_42 : vector<16xi32>
    %swap3A_44 = arith.constant 32 : index
    %swap3A_45 = tpu.vector_load %arg6[%swap3A_44] {strides = array<i32>} : memref<128xi32, #tpu.memory_space<vmem>>, vector<16xi32>,
    %swap3A_46 = vector.shape_cast %swap3A_45 : vector<16xi32> to vector<16xi32>
    %swap3A_47 = vector.shape_cast %or3A_43 : vector<16xi32> to vector<16xi32>
    tpu.vector_store %arg6[%swap3A_44], %swap3A_47 {strides = array<i32>} : memref<128xi32, #tpu.memory_space<vmem>>, vector<16xi32>,
    %get3A_48 = arith.constant 48 : index
    %get3A_49 = tpu.vector_load %arg5[%get3A_48] {strides = array<i32>} : memref<128xi32, #tpu.memory_space<vmem>>, vector<16xi32>,
    %get3A_50 = vector.shape_cast %get3A_49 : vector<16xi32> to vector<16xi32>
    %shift_right_arithmetic3A_51 = arith.constant 14 : i32
    %shift_right_arithmetic3A_52 = vector.broadcast %shift_right_arithmetic3A_51 : i32 to vector<16xi32>
    %shift_right_arithmetic3A_53 = arith.shrsi %get3A_50, %shift_right_arithmetic3A_52 : vector<16xi32>
    %shift_left3A_54 = arith.constant 13 : i32
    %shift_left3A_55 = vector.broadcast %shift_left3A_54 : i32 to vector<16xi32>
    %shift_left3A_56 = arith.shli %shift_right_arithmetic3A_53, %shift_left3A_55 : vector<16xi32>
    %and3A_57 = arith.constant 8191 : i32
    %and3A_58 = vector.broadcast %and3A_57 : i32 to vector<16xi32>
    %and3A_59 = arith.andi %get3A_50, %and3A_58 : vector<16xi32>
    %or3A_60 = arith.ori %shift_left3A_56, %and3A_59 : vector<16xi32>
    %swap3A_61 = arith.constant 48 : index
    %swap3A_62 = tpu.vector_load %arg6[%swap3A_61] {strides = array<i32>} : memref<128xi32, #tpu.memory_space<vmem>>, vector<16xi32>,
    %swap3A_63 = vector.shape_cast %swap3A_62 : vector<16xi32> to vector<16xi32>
    %swap3A_64 = vector.shape_cast %or3A_60 : vector<16xi32> to vector<16xi32>
    tpu.vector_store %arg6[%swap3A_61], %swap3A_64 {strides = array<i32>} : memref<128xi32, #tpu.memory_space<vmem>>, vector<16xi32>,
    %get3A_65 = arith.constant 64 : index
    %get3A_66 = tpu.vector_load %arg5[%get3A_65] {strides = array<i32>} : memref<128xi32, #tpu.memory_space<vmem>>, vector<16xi32>,
    %get3A_67 = vector.shape_cast %get3A_66 : vector<16xi32> to vector<16xi32>
    %shift_right_arithmetic3A_68 = arith.constant 14 : i32
    %shift_right_arithmetic3A_69 = vector.broadcast %shift_right_arithmetic3A_68 : i32 to vector<16xi32>
    %shift_right_arithmetic3A_70 = arith.shrsi %get3A_67, %shift_right_arithmetic3A_69 : vector<16xi32>
    %shift_left3A_71 = arith.constant 13 : i32
    %shift_left3A_72 = vector.broadcast %shift_left3A_71 : i32 to vector<16xi32>
    %shift_left3A_73 = arith.shli %shift_right_arithmetic3A_70, %shift_left3A_72 : vector<16xi32>
    %and3A_74 = arith.constant 8191 : i32
    %and3A_75 = vector.broadcast %and3A_74 : i32 to vector<16xi32>
    %and3A_76 = arith.andi %get3A_67, %and3A_75 : vector<16xi32>
    %or3A_77 = arith.ori %shift_left3A_73, %and3A_76 : vector<16xi32>
    %swap3A_78 = arith.constant 64 : index
    %swap3A_79 = tpu.vector_load %arg6[%swap3A_78] {strides = array<i32>} : memref<128xi32, #tpu.memory_space<vmem>>, vector<16xi32>,
    %swap3A_80 = vector.shape_cast %swap3A_79 : vector<16xi32> to vector<16xi32>
    %swap3A_81 = vector.shape_cast %or3A_77 : vector<16xi32> to vector<16xi32>
    tpu.vector_store %arg6[%swap3A_78], %swap3A_81 {strides = array<i32>} : memref<128xi32, #tpu.memory_space<vmem>>, vector<16xi32>,
    %get3A_82 = arith.constant 80 : index
    %get3A_83 = tpu.vector_load %arg5[%get3A_82] {strides = array<i32>} : memref<128xi32, #tpu.memory_space<vmem>>, vector<16xi32>,
    %get3A_84 = vector.shape_cast %get3A_83 : vector<16xi32> to vector<16xi32>
    %shift_right_arithmetic3A_85 = arith.constant 14 : i32
    %shift_right_arithmetic3A_86 = vector.broadcast %shift_right_arithmetic3A_85 : i32 to vector<16xi32>
    %shift_right_arithmetic3A_87 = arith.shrsi %get3A_84, %shift_right_arithmetic3A_86 : vector<16xi32>
    %shift_left3A_88 = arith.constant 13 : i32
    %shift_left3A_89 = vector.broadcast %shift_left3A_88 : i32 to vector<16xi32>
    %shift_left3A_90 = arith.shli %shift_right_arithmetic3A_87, %shift_left3A_89 : vector<16xi32>
    %and3A_91 = arith.constant 8191 : i32
    %and3A_92 = vector.broadcast %and3A_91 : i32 to vector<16xi32>
    %and3A_93 = arith.andi %get3A_84, %and3A_92 : vector<16xi32>
    %or3A_94 = arith.ori %shift_left3A_90, %and3A_93 : vector<16xi32>
    %swap3A_95 = arith.constant 80 : index
    %swap3A_96 = tpu.vector_load %arg6[%swap3A_95] {strides = array<i32>} : memref<128xi32, #tpu.memory_space<vmem>>, vector<16xi32>,
    %swap3A_97 = vector.shape_cast %swap3A_96 : vector<16xi32> to vector<16xi32>
    %swap3A_98 = vector.shape_cast %or3A_94 : vector<16xi32> to vector<16xi32>
    tpu.vector_store %arg6[%swap3A_95], %swap3A_98 {strides = array<i32>} : memref<128xi32, #tpu.memory_space<vmem>>, vector<16xi32>,
    %get3A_99 = arith.constant 96 : index
    %get3A_100 = tpu.vector_load %arg5[%get3A_99] {strides = array<i32>} : memref<128xi32, #tpu.memory_space<vmem>>, vector<16xi32>,
    %get3A_101 = vector.shape_cast %get3A_100 : vector<16xi32> to vector<16xi32>
    %shift_right_arithmetic3A_102 = arith.constant 14 : i32
    %shift_right_arithmetic3A_103 = vector.broadcast %shift_right_arithmetic3A_102 : i32 to vector<16xi32>
    %shift_right_arithmetic3A_104 = arith.shrsi %get3A_101, %shift_right_arithmetic3A_103 : vector<16xi32>
    %shift_left3A_105 = arith.constant 13 : i32
    %shift_left3A_106 = vector.broadcast %shift_left3A_105 : i32 to vector<16xi32>
    %shift_left3A_107 = arith.shli %shift_right_arithmetic3A_104, %shift_left3A_106 : vector<16xi32>
    %and3A_108 = arith.constant 8191 : i32
    %and3A_109 = vector.broadcast %and3A_108 : i32 to vector<16xi32>
    %and3A_110 = arith.andi %get3A_101, %and3A_109 : vector<16xi32>
    %or3A_111 = arith.ori %shift_left3A_107, %and3A_110 : vector<16xi32>
    %swap3A_112 = arith.constant 96 : index
    %swap3A_113 = tpu.vector_load %arg6[%swap3A_112] {strides = array<i32>} : memref<128xi32, #tpu.memory_space<vmem>>, vector<16xi32>,
    %swap3A_114 = vector.shape_cast %swap3A_113 : vector<16xi32> to vector<16xi32>
    %swap3A_115 = vector.shape_cast %or3A_111 : vector<16xi32> to vector<16xi32>
    tpu.vector_store %arg6[%swap3A_112], %swap3A_115 {strides = array<i32>} : memref<128xi32, #tpu.memory_space<vmem>>, vector<16xi32>,
    %get3A_116 = arith.constant 112 : index
    %get3A_117 = tpu.vector_load %arg5[%get3A_116] {strides = array<i32>} : memref<128xi32, #tpu.memory_space<vmem>>, vector<16xi32>,
    %get3A_118 = vector.shape_cast %get3A_117 : vector<16xi32> to vector<16xi32>
    %shift_right_arithmetic3A_119 = arith.constant 14 : i32
    %shift_right_arithmetic3A_120 = vector.broadcast %shift_right_arithmetic3A_119 : i32 to vector<16xi32>
    %shift_right_arithmetic3A_121 = arith.shrsi %get3A_118, %shift_right_arithmetic3A_120 : vector<16xi32>
    %shift_left3A_122 = arith.constant 13 : i32
    %shift_left3A_123 = vector.broadcast %shift_left3A_122 : i32 to vector<16xi32>
    %shift_left3A_124 = arith.shli %shift_right_arithmetic3A_121, %shift_left3A_123 : vector<16xi32>
    %and3A_125 = arith.constant 8191 : i32
    %and3A_126 = vector.broadcast %and3A_125 : i32 to vector<16xi32>
    %and3A_127 = arith.andi %get3A_118, %and3A_126 : vector<16xi32>
    %or3A_128 = arith.ori %shift_left3A_124, %and3A_127 : vector<16xi32>
    %swap3A_129 = arith.constant 112 : index
    %swap3A_130 = tpu.vector_load %arg6[%swap3A_129] {strides = array<i32>} : memref<128xi32, #tpu.memory_space<vmem>>, vector<16xi32>,
    %swap3A_131 = vector.shape_cast %swap3A_130 : vector<16xi32> to vector<16xi32>
    %swap3A_132 = vector.shape_cast %or3A_128 : vector<16xi32> to vector<16xi32>
    tpu.vector_store %arg6[%swap3A_129], %swap3A_132 {strides = array<i32>} : memref<128xi32, #tpu.memory_space<vmem>>, vector<16xi32>,
    %dma_start3A = arith.constant 0 : i32
    %dma_start3A_133 = arith.constant 0 : i32
    %dma_start3A_134 = tpu.memref_slice %arg3[%dma_start3A, %dma_start3A_133] : memref<57344x128xf32, #tpu.memory_space<hbm>> -> memref<57344x128xf32, #tpu.memory_space<hbm>>
    tpu.enqueue_indirect_dma source(%dma_start3A_134 : memref<57344x128xf32, #tpu.memory_space<hbm>>) target(%arg7 : memref<128x128xf32, #tpu.memory_space<vmem>>) offsets(%arg6 : memref<128xi32, #tpu.memory_space<vmem>>) semaphore(%arg8 : memref<!tpu.dma_semaphore, #tpu.memory_space<semaphore_mem>>)
    %dma_wait3A = arith.constant 0 : i32
    %dma_wait3A_135 = arith.constant 0 : i32
    %dma_wait3A_136 = tpu.memref_slice %arg3[%dma_wait3A, %dma_wait3A_135] : memref<57344x128xf32, #tpu.memory_space<hbm>> -> memref<57344x128xf32, #tpu.memory_space<hbm>>
    tpu.wait_indirect_dma semaphore(%arg8 : memref<!tpu.dma_semaphore, #tpu.memory_space<semaphore_mem>>) src(%dma_wait3A_136 : memref<57344x128xf32, #tpu.memory_space<hbm>>) dst(%arg7 : memref<128x128xf32, #tpu.memory_space<vmem>>)
    "tpu.region"() ({
      %run_scoped3A = tpu.sem_alloc : memref<!tpu.dma_semaphore, #tpu.memory_space<semaphore_mem>>
      %dma_start3A_137 = arith.constant 0 : i32
      %dma_start3A_138 = tpu.memref_slice %arg4[%mul3A_2, %dma_start3A_137] : memref<4096x128xf32, #tpu.memory_space<hbm>> -> memref<128x128xf32, #tpu.memory_space<hbm>>
      %dma_start3A_139 = arith.constant 0 : i32
      %dma_start3A_140 = tpu.memref_slice %arg4[%mul3A_2, %dma_start3A_139] : memref<4096x128xf32, #tpu.memory_space<hbm>> -> memref<128x128xf32, #tpu.memory_space<hbm>>
      tpu.enqueue_dma source(%arg7 : memref<128x128xf32, #tpu.memory_space<vmem>>) target(%dma_start3A_140 : memref<128x128xf32, #tpu.memory_space<hbm>>) target_semaphore(%run_scoped3A : memref<!tpu.dma_semaphore, #tpu.memory_space<semaphore_mem>>)
      %dma_wait3A_141 = arith.constant 0 : i32
      %dma_wait3A_142 = tpu.memref_slice %arg4[%mul3A_2, %dma_wait3A_141] : memref<4096x128xf32, #tpu.memory_space<hbm>> -> memref<128x128xf32, #tpu.memory_space<hbm>>
      %dma_wait3A_143 = arith.constant 0 : i32
      %dma_wait3A_144 = tpu.memref_slice %arg4[%mul3A_2, %dma_wait3A_143] : memref<4096x128xf32, #tpu.memory_space<hbm>> -> memref<128x128xf32, #tpu.memory_space<hbm>>
      tpu.wait_dma2 semaphore(%run_scoped3A : memref<!tpu.dma_semaphore, #tpu.memory_space<semaphore_mem>>) src(%arg7 : memref<128x128xf32, #tpu.memory_space<vmem>>) dst(%dma_wait3A_144 : memref<128x128xf32, #tpu.memory_space<hbm>>)
      tpu.yield
    }) : () -> ()
    return
  }
}

module attributes {stable_mosaic.version = 14 : i64} {
  func.func @_tc_repack_body(%arg0: i32, %arg1: memref<64x8192xf32, #tpu.memory_space<vmem>>, %arg2: memref<64x8192xf32, #tpu.memory_space<vmem>>, %arg3: memref<8192x128xf32, #tpu.memory_space<vmem>>) attributes {dimension_semantics = [#tpu.dimension_semantics<arbitrary>], iteration_bounds = array<i64: 7>, scalar_prefetch = 0 : i64, scratch_operands = 0 : i64, tpu.core_type = #tpu.core_type<tc>, window_params = [{transform_indices = @transform_0, window_bounds = array<i64: 64, 8192>}, {transform_indices = @transform_1, window_bounds = array<i64: 64, 8192>}, {transform_indices = @transform_2, window_bounds = array<i64: 8192, 128>}]} {
    %get3A = arith.constant 0 : index
    %get3A_0 = arith.constant 0 : index
    %get3A_1 = vector.load %arg1[%get3A, %get3A_0] : memref<64x8192xf32, #tpu.memory_space<vmem>>, vector<64x8192xf32>
    %get3A_2 = arith.constant 0 : index
    %get3A_3 = arith.constant 0 : index
    %get3A_4 = vector.load %arg2[%get3A_2, %get3A_3] : memref<64x8192xf32, #tpu.memory_space<vmem>>, vector<64x8192xf32>
    %concatenate3A = tpu.concatenate %get3A_1, %get3A_4 in 0 : vector<64x8192xf32>, vector<64x8192xf32> -> vector<128x8192xf32>
    %transpose3A = tpu.transpose %concatenate3A, [1, 0] : vector<128x8192xf32> -> vector<8192x128xf32>
    %swap3A = arith.constant 0 : index
    %swap3A_5 = arith.constant 0 : index
    %swap3A_6 = vector.load %arg3[%swap3A, %swap3A_5] : memref<8192x128xf32, #tpu.memory_space<vmem>>, vector<8192x128xf32>
    tpu.vector_store %arg3[%swap3A, %swap3A_5], %transpose3A {strides = array<i32>} : memref<8192x128xf32, #tpu.memory_space<vmem>>, vector<8192x128xf32>,
    return
  }
  func.func @transform_0(%arg0: i32) -> (i32, i32) {
    %mul3A = arith.constant 2 : i32
    %mul3A_0 = arith.muli %mul3A, %arg0 : i32
    %c0_i32 = arith.constant 0 : i32
    %c0_i32_1 = arith.constant 0 : i32
    return %c0_i32, %mul3A_0 : i32, i32
  }
  func.func @transform_1(%arg0: i32) -> (i32, i32) {
    %mul3A = arith.constant 2 : i32
    %mul3A_0 = arith.muli %mul3A, %arg0 : i32
    %add3A = arith.constant 1 : i32
    %add3A_1 = arith.addi %mul3A_0, %add3A : i32
    %min3A = arith.constant 12 : i32
    %min3A_2 = arith.minsi %add3A_1, %min3A : i32
    %c0_i32 = arith.constant 0 : i32
    %c0_i32_3 = arith.constant 0 : i32
    return %c0_i32, %min3A_2 : i32, i32
  }
  func.func @transform_2(%arg0: i32) -> (i32, i32) {
    %c0_i32 = arith.constant 0 : i32
    %c0_i32_0 = arith.constant 0 : i32
    return %arg0, %c0_i32 : i32, i32
  }
}

module attributes {stable_mosaic.version = 14 : i64} {
  func.func @_tc_combine_body(%arg0: i32, %arg1: memref<2048xi32, #tpu.memory_space<vmem>>, %arg2: memref<2048xi32, #tpu.memory_space<vmem>>, %arg3: memref<2048x128xf32, #tpu.memory_space<vmem>>, %arg4: memref<128x64xf32, #tpu.memory_space<vmem>>, %arg5: memref<2048x128xf32, #tpu.memory_space<vmem>>, %arg6: memref<2048x128xf32, #tpu.memory_space<vmem>>, %arg7: memref<2048xf32, #tpu.memory_space<vmem>>) attributes {dimension_semantics = [#tpu.dimension_semantics<arbitrary>], iteration_bounds = array<i64: 2>, scalar_prefetch = 0 : i64, scratch_operands = 0 : i64, tpu.core_type = #tpu.core_type<tc>, window_params = [{transform_indices = @transform_0, window_bounds = array<i64: 2048>}, {transform_indices = @transform_1, window_bounds = array<i64: 2048>}, {transform_indices = @transform_2, window_bounds = array<i64: 2048, 128>}, {pipeline_mode = #tpu.pipeline_mode<synchronous>, transform_indices = @transform_3, window_bounds = array<i64: 128, 64>}, {transform_indices = @transform_4, window_bounds = array<i64: 2048, 128>}, {transform_indices = @transform_5, window_bounds = array<i64: 2048, 128>}, {transform_indices = @transform_6, window_bounds = array<i64: 2048>}]} {
    %get3A = arith.constant 0 : index
    %get3A_0 = vector.load %arg1[%get3A] : memref<2048xi32, #tpu.memory_space<vmem>>, vector<2048xi32>
    %shift_right_arithmetic3A = arith.constant 13 : i32
    %shift_right_arithmetic3A_1 = vector.broadcast %shift_right_arithmetic3A : i32 to vector<2048xi32>
    %shift_right_arithmetic3A_2 = arith.shrsi %get3A_0, %shift_right_arithmetic3A_1 : vector<2048xi32>
    %and3A = arith.constant 1 : i32
    %and3A_3 = vector.broadcast %and3A : i32 to vector<2048xi32>
    %and3A_4 = arith.andi %shift_right_arithmetic3A_2, %and3A_3 : vector<2048xi32>
    %broadcast_in_dim3A = vector.shape_cast %and3A_4 : vector<2048xi32> to vector<2048x1xi32>
    %eq3A = arith.constant 1 : i32
    %eq3A_5 = vector.broadcast %eq3A : i32 to vector<2048x1xi32>
    %eq3A_6 = arith.cmpi eq, %broadcast_in_dim3A, %eq3A_5 : vector<2048x1xi32>
    %get3A_7 = arith.constant 0 : index
    %get3A_8 = vector.load %arg2[%get3A_7] : memref<2048xi32, #tpu.memory_space<vmem>>, vector<2048xi32>
    %shift_right_arithmetic3A_9 = arith.constant 13 : i32
    %shift_right_arithmetic3A_10 = vector.broadcast %shift_right_arithmetic3A_9 : i32 to vector<2048xi32>
    %shift_right_arithmetic3A_11 = arith.shrsi %get3A_8, %shift_right_arithmetic3A_10 : vector<2048xi32>
    %and3A_12 = arith.constant 1 : i32
    %and3A_13 = vector.broadcast %and3A_12 : i32 to vector<2048xi32>
    %and3A_14 = arith.andi %shift_right_arithmetic3A_11, %and3A_13 : vector<2048xi32>
    %broadcast_in_dim3A_15 = vector.shape_cast %and3A_14 : vector<2048xi32> to vector<2048x1xi32>
    %eq3A_16 = arith.constant 1 : i32
    %eq3A_17 = vector.broadcast %eq3A_16 : i32 to vector<2048x1xi32>
    %eq3A_18 = arith.cmpi eq, %broadcast_in_dim3A_15, %eq3A_17 : vector<2048x1xi32>
    %get3A_19 = arith.constant 0 : index
    %get3A_20 = arith.constant 64 : index
    %get3A_21 = vector.load %arg5[%get3A_19, %get3A_20] : memref<2048x128xf32, #tpu.memory_space<vmem>>, vector<2048x64xf32>
    %get3A_22 = arith.constant 0 : index
    %get3A_23 = arith.constant 0 : index
    %get3A_24 = vector.load %arg5[%get3A_22, %get3A_23] : memref<2048x128xf32, #tpu.memory_space<vmem>>, vector<2048x64xf32>
    %broadcast_in_dim3A_25 = vector.shape_cast %eq3A_6 : vector<2048x1xi1> to vector<2048x1xi1>
    %broadcast_in_dim3A_26 = vector.broadcast %broadcast_in_dim3A_25 : vector<2048x1xi1> to vector<2048x64xi1>
    %select_n3A = arith.select %broadcast_in_dim3A_26, %get3A_21, %get3A_24 : vector<2048x64xi1>, vector<2048x64xf32>
    %get3A_27 = arith.constant 0 : index
    %get3A_28 = arith.constant 64 : index
    %get3A_29 = vector.load %arg6[%get3A_27, %get3A_28] : memref<2048x128xf32, #tpu.memory_space<vmem>>, vector<2048x64xf32>
    %get3A_30 = arith.constant 0 : index
    %get3A_31 = arith.constant 0 : index
    %get3A_32 = vector.load %arg6[%get3A_30, %get3A_31] : memref<2048x128xf32, #tpu.memory_space<vmem>>, vector<2048x64xf32>
    %broadcast_in_dim3A_33 = vector.shape_cast %eq3A_18 : vector<2048x1xi1> to vector<2048x1xi1>
    %broadcast_in_dim3A_34 = vector.broadcast %broadcast_in_dim3A_33 : vector<2048x1xi1> to vector<2048x64xi1>
    %select_n3A_35 = arith.select %broadcast_in_dim3A_34, %get3A_29, %get3A_32 : vector<2048x64xi1>, vector<2048x64xf32>
    %get3A_36 = arith.constant 0 : index
    %get3A_37 = arith.constant 0 : index
    %get3A_38 = vector.load %arg3[%get3A_36, %get3A_37] : memref<2048x128xf32, #tpu.memory_space<vmem>>, vector<2048x128xf32>
    %get3A_39 = arith.constant 0 : index
    %get3A_40 = arith.constant 0 : index
    %get3A_41 = vector.load %arg4[%get3A_39, %get3A_40] : memref<128x64xf32, #tpu.memory_space<vmem>>, vector<128x64xf32>
    %dot_general3A = arith.constant dense<0.000000e+00> : vector<2048x64xf32>
    %dot_general3A_42 = tpu.matmul %get3A_38, %get3A_41, %dot_general3A {dimension_numbers = #tpu.dot_dimension_numbers<[1], [0], [0], [1], [0, 0, 1, 1], [], []>, transpose_lhs_hint = false} : vector<2048x128xf32>, vector<128x64xf32>, vector<2048x64xf32> -> vector<2048x64xf32>
    %add3A = arith.addf %dot_general3A_42, %select_n3A_35 : vector<2048x64xf32>
    %mul3A = arith.mulf %select_n3A, %add3A : vector<2048x64xf32>
    %broadcast_in_dim3A_43 = arith.constant 1.000000e+00 : f32
    %broadcast_in_dim3A_44 = vector.broadcast %broadcast_in_dim3A_43 : f32 to vector<64xf32>
    %dot_general3A_45 = arith.constant dense<0.000000e+00> : vector<2048xf32>
    %dot_general3A_46 = tpu.matmul %mul3A, %broadcast_in_dim3A_44, %dot_general3A_45 {dimension_numbers = #tpu.dot_dimension_numbers<[1], [0], [0], [], [0, 0], [], []>, transpose_lhs_hint = false} : vector<2048x64xf32>, vector<64xf32>, vector<2048xf32> -> vector<2048xf32>
    %swap3A = arith.constant 0 : index
    %swap3A_47 = vector.load %arg7[%swap3A] : memref<2048xf32, #tpu.memory_space<vmem>>, vector<2048xf32>
    tpu.vector_store %arg7[%swap3A], %dot_general3A_46 {strides = array<i32>} : memref<2048xf32, #tpu.memory_space<vmem>>, vector<2048xf32>,
    return
  }
  func.func @transform_0(%arg0: i32) -> i32 {
    %c0_i32 = arith.constant 0 : i32
    return %arg0 : i32
  }
  func.func @transform_1(%arg0: i32) -> i32 {
    %c0_i32 = arith.constant 0 : i32
    return %arg0 : i32
  }
  func.func @transform_2(%arg0: i32) -> (i32, i32) {
    %c0_i32 = arith.constant 0 : i32
    %c0_i32_0 = arith.constant 0 : i32
    return %arg0, %c0_i32 : i32, i32
  }
  func.func @transform_3(%arg0: i32) -> (i32, i32) {
    %c0_i32 = arith.constant 0 : i32
    %c0_i32_0 = arith.constant 0 : i32
    %c0_i32_1 = arith.constant 0 : i32
    return %c0_i32, %c0_i32_0 : i32, i32
  }
  func.func @transform_4(%arg0: i32) -> (i32, i32) {
    %c0_i32 = arith.constant 0 : i32
    %c0_i32_0 = arith.constant 0 : i32
    return %arg0, %c0_i32 : i32, i32
  }
  func.func @transform_5(%arg0: i32) -> (i32, i32) {
    %c0_i32 = arith.constant 0 : i32
    %c0_i32_0 = arith.constant 0 : i32
    return %arg0, %c0_i32 : i32, i32
  }
  func.func @transform_6(%arg0: i32) -> i32 {
    %c0_i32 = arith.constant 0 : i32
    return %arg0 : i32
  }
}

</mosaic_0001>

<sc_bundles>
// kernel: kernel.10.cloned.1.call-start
scs
__scs_entry_jumppad:
0x0: {  	(pc) =	sbr.rel $0x88, $3  }
0x1: {  	(tag) =	ssettag $0x0;
	lr =	simm.s32 $0x1  }
0x2: {  	[smem:$0x3F9B] =	sst lr;
	_ =	strace $0xD0000000  }
0x3: {  	_ = 	snop  }
0x4: {  	_ = 	snop  }
0x5: {  	_ = 	snop  }
0x6: {  	_ = 	snop  }
0x7: {  	_ = 	snop  }
__scs_overlays_trampoline_lowered:
0x8: {  	[smem:$0x3FAA] =	sst s0  }
0x9: {  	[smem:$0x3FAB] =	sst s1  }
0xa: {  	[smem:$0x3FAC] =	sst s2  }
0xb: {  	[smem:$0x3FAD] =	sst s3  }
0xc: {  	[smem:$0x3FAE] =	sst s4  }
0xd: {  	[smem:$0x3FAF] =	sst s5  }
0xe: {  	[smem:$0x3FB0] =	sst s6  }
0xf: {  	[smem:$0x3FB1] =	sst s7  }
0x10: {  	[smem:$0x3FB2] =	sst s8  }
0x11: {  	[smem:$0x3FB3] =	sst s9;
	s0 =	simm.s32 @!p0 $0x0  }
0x12: {  	s1 =	sld [smem:$0x3F99];
	s0 =	simm.s32 @p0 $0x1  }
0x13: {  	[smem:$0x3FB4] =	sst s0;
	s0 =	simm.s32 @!p1 $0x0  }
0x14: {  	s2 =	sld [smem:$0x3F98];
	s0 =	simm.s32 @p1 $0x1  }
0x15: {  	[smem:$0x3FB5] =	sst s0;
	s0 =	simm.s32 @!p2 $0x0  }
0x16: {  	s3 =	sld [smem:$0x3FDB];
	s0 =	simm.s32 @p2 $0x1  }
0x17: {  	s4 =	simm.s32 $0x1BF5;
	[smem:$0x3FB7] =	sst s0  }
0x18: {  	s0 =	sld [smem:$0x3F9A];
	_ =	swait.ge [sflag:s4], $0x0  }
0x19: {  	s7 =	sld [smem:$0x3F9B]  }
0x1a: {  	s8 =	sadd.s32 $0xFFFFE003, lr  }
0x1b: {  	s9 =	sadd.s32 $0xFFFFFEF7, lr;
	s5 =	simm.s32 $0xFFFFFFFF;
	p2 =	slt.u32 s8, $0xFFFFF086  }
0x1c: {  	p1 =	slt.u32 s9, $0xF7A;
	s5 =	simm.s32 @!p2 $0x0  }
0x1d: {  	s5 =	simm.s32 @p1 $0x1;
	p0 =	seq.s32 s7, s2  }
0x1e: {  	s7 =	smul.u32 @!p0 $0xF7A, s2;
	p2 =	seq.s32 @!p0 s5, $0x0  }
0x1f: {  	s9 =	smul.u32 $0xF7A, s1;
	s8 =	simm.s32 @!p0 $0x1BF5;
	p2 =	por !p2, p0  }
0x20: {  	[sflag:s8] =	ssyncset.s32 @!p0 $0xFFFFF086;
	s6 =	sadd.s32 @!p0 s3, s7;
	s7 =	simm.s32 @!p0 $0x108  }
0x21: {  	s3 =	sadd.s32 s3, s9;
	s6 =	sadd.s32 @!p0 $0x88, s6;
	s7 =	simm.s32 @p2 $0x1082  }
0x22: {  	[simem:s7], [sflag:s8] =	dma.local @!p0 [hbm:s6], $0xF7A  }
0x23: {  	s9 =	sor.u32 $0xD0000000, s2;
	s6 =	simm.s32 $0x108;
	_ =	swait.ge @!p0 [sflag:s8], $0x0  }
0x24: {  	s3 =	sadd.s32 $0x88, s3;
	s6 =	simm.s32 @!p1 $0x1082;
	[sflag:s4] =	ssyncset.s32 $0xFFFFF086  }
0x25: {  	[simem:s6], [sflag:s4] =	dma.local [hbm:s3], $0xF7A  }
0x26: {  	[smem:$0x3F9B] =	sst s1;
	(tag) =	ssettag s2;
	_ =	strace s9  }
0x27: {  	s1 =	sld [smem:$0x3FAB]  }
0x28: {  	s2 =	sld [smem:$0x3FAC]  }
0x29: {  	s4 =	sld [smem:$0x3FAE]  }
0x2a: {  	p0 =	seq.s32 s5, $0x0;
	s5 =	sld [smem:$0x3FAF]  }
0x2b: {  	s6 =	sld [smem:$0x3FB0]  }
0x2c: {  	s7 =	sld [smem:$0x3FB1]  }
0x2d: {  	s3 =	simm.s32 $0x108;
	s8 =	sld [smem:$0x3FB2]  }
0x2e: {  	s3 =	simm.s32 @!p0 $0x1082;
	s9 =	sld [smem:$0x3FB3]  }
0x2f: {  	lr =	sadd.s32 s0, s3;
	s0 =	sld [smem:$0x3FAA]  }
0x30: {  	s3 =	sld [smem:$0x3FAD]  }
0x31: {  	[smem:$0x3FB6] =	sst s10  }
0x32: {  	s10 =	sld [smem:$0x3FB4];
	_ =	sdelay $0x3  }
0x33: {  	p0 =	seq.s32 s10, $0x1;
	s10 =	sld [smem:$0x3FB6];
	_ =	sdelay $0x3  }
0x34: {  	[smem:$0x3FB6] =	sst s10  }
0x35: {  	s10 =	sld [smem:$0x3FB5];
	_ =	sdelay $0x3  }
0x36: {  	p1 =	seq.s32 s10, $0x1;
	s10 =	sld [smem:$0x3FB6];
	_ =	sdelay $0x3  }
0x37: {  	[smem:$0x3FB6] =	sst s10  }
0x38: {  	s10 =	sld [smem:$0x3FB7]  }
0x39: {  	_ = 	snop;
	(pc) =	sbr.ind lr, $3  }
0x3a: {  	_ = 	snop  }
0x3b: {  	_ = 	snop  }
0x3c: {  	p2 =	seq.s32 s10, $0x1;
	s10 =	sld [smem:$0x3FB6]  }
0x3d: {  	_ =	shalt  }
0x3e: {  	_ =	shalt  }
0x3f: {  	_ =	shalt  }
0x40: {  	_ =	shalt  }
0x41: {  	_ =	shalt  }
0x42: {  	_ =	shalt  }
0x43: {  	_ =	shalt  }
0x44: {  	_ =	shalt  }
0x45: {  	_ =	shalt  }
0x46: {  	_ =	shalt  }
0x47: {  	_ =	shalt  }
0x48: {  	_ =	shalt  }
0x49: {  	_ =	shalt  }
0x4a: {  	_ =	shalt  }
0x4b: {  	_ =	shalt  }
0x4c: {  	_ =	shalt  }
0x4d: {  	_ =	shalt  }
0x4e: {  	_ =	shalt  }
0x4f: {  	_ =	shalt  }
0x50: {  	_ =	shalt  }
0x51: {  	_ =	shalt  }
0x52: {  	_ =	shalt  }
0x53: {  	_ =	shalt  }
0x54: {  	_ =	shalt  }
0x55: {  	_ =	shalt  }
0x56: {  	_ =	shalt  }
0x57: {  	_ =	shalt  }
0x58: {  	_ =	shalt  }
0x59: {  	_ =	shalt  }
0x5a: {  	_ =	shalt  }
0x5b: {  	_ =	shalt  }
0x5c: {  	_ =	shalt  }
0x5d: {  	_ =	shalt  }
0x5e: {  	_ =	shalt  }
0x5f: {  	_ =	shalt  }
0x60: {  	_ =	shalt  }
0x61: {  	_ =	shalt  }
0x62: {  	_ =	shalt  }
0x63: {  	_ =	shalt  }
0x64: {  	_ =	shalt  }
0x65: {  	_ =	shalt  }
0x66: {  	_ =	shalt  }
0x67: {  	_ =	shalt  }
0x68: {  	_ =	shalt  }
0x69: {  	_ =	shalt  }
0x6a: {  	_ =	shalt  }
0x6b: {  	_ =	shalt  }
0x6c: {  	_ =	shalt  }
0x6d: {  	_ =	shalt  }
0x6e: {  	_ =	shalt  }
0x6f: {  	_ =	shalt  }
0x70: {  	_ =	shalt  }
0x71: {  	_ =	shalt  }
0x72: {  	_ =	shalt  }
0x73: {  	_ =	shalt  }
0x74: {  	_ =	shalt  }
0x75: {  	_ =	shalt  }
0x76: {  	_ =	shalt  }
0x77: {  	_ =	shalt  }
0x78: {  	_ =	shalt  }
0x79: {  	_ =	shalt  }
0x7a: {  	_ =	shalt  }
0x7b: {  	_ =	shalt  }
0x7c: {  	_ =	shalt  }
0x7d: {  	_ =	shalt  }
0x7e: {  	_ =	shalt  }
0x7f: {  	_ =	shalt  }
0x80: {  	_ =	shalt  }
0x81: {  	_ =	shalt  }
0x82: {  	_ =	shalt  }
0x83: {  	_ =	shalt  }
0x84: {  	_ =	shalt  }
0x85: {  	_ =	shalt  }
0x86: {  	_ =	shalt  }
0x87: {  	_ =	shalt  }
.Lfunc_end0:
.L_simem_size_0:
called_computation.1_lowered:
.L_overlay_start_0:
0x88: {  	s2 =	sld [smem:$0x3FD9]  }
0x89: {  	s3 =	sld [smem:$0x3FFE];
	_ =	sdelay $0x1  }
0x8a: {  	s1 =	srdreg.scid  }
0x8b: {  	s0 =	sand.u32 $0x1, s1  }
0x8c: {  	s17 =	sshll.u32 s0, $0xA;
	s2 =	sadd.s32 s3, s2  }
0x8d: {  	s2 =	sadd.s32 s2, s17  }
0x8e: {  	[smem:$0x3FC2] =	sst s2  }
0x8f: {  	_ = 	snop  }
0x90: {  	s2 =	sld [smem:$0x3FC8];
	(tm) =	ssettm $0x1  }
0x91: {  	s18 =	sld [smem:$0x3FFB];
	_ =	sdelay $0x3  }
0x92: {  	_ =	strace s18  }
0x93: {  	s3 =	sld [smem:$0x3FFC];
	_ =	sdelay $0x3  }
0x94: {  	_ =	strace s3  }
0x95: {  	s3 =	sld [smem:$0x3FFD];
	_ =	sdelay $0x3  }
0x96: {  	_ =	strace s3  }
0x97: {  	_ =	strace $0x8FFFFFFF  }
0x98: {  	s19 =	sld [smem:$0x3FDB];
	_ =	sdelay $0x1  }
0x99: {  	s4 =	simm.s32 $_scs_section_size  }
0x9a: {  	s5 =	simm.s32 $_size__tile_overlayer_lowered;
	s6 =	simm.s32 $_tile_overlayer_lowered  }
0x9b: {  	s22 =	simm.s32 $0x1BFF;
	s21 =	sshll.u32 s6, $0x1;
	s3 =	sadd.s32 s4, s19  }
0x9c: {  	s7 =	simm.s32 $0x0;
	s20 =	sshll.u32 s5, $0x1;
	s5 =	sadd.s32 s21, s3  }
0x9d: {  	[timem:s7], [sflag:s22] =	dma.local [hbm:s5], s20  }
0x9e: {  	_ =	swait.ge [sflag:s22], s20  }
0x9f: {  	s4 =	ssub.s32 $0x0, s20;
	[sflag:s22] =	ssyncset.done $0x0  }
0xa0: {  	[sflag:s22] =	ssyncadd.s32 s4;
	_ =	sdelay $0x1  }
0xa1: {  	s23 =	simm.s32 $0x1B8B  }
0xa2: {  	_ =	swait.ge [sflag:s23], $0x1  }
0xa3: {  	[sflag:s23] =	ssyncset.done $0x0  }
0xa4: {  	s25 =	simm.s32 $0x1B8E;
	s24 =	sld [smem:$0x3FFE];
	[sflag:s23] =	ssyncadd.s32 $0xFFFFFFFF  }
0xa5: {  	s26 =	simm.s32 $execute0_lowered;
	[smem:$0x3FD2] =	sst s25  }
0xa6: {  	s5 =	sshll.u32 s26, $0x1;
	_ =	strace $0x80000046;
	[dreg:$0x1] =	wrdreg $0xFFFFFFFF  }
0xa7: {  	s28 =	simm.s32 $_size_execute0_lowered;
	s3 =	sadd.s32 s3, s5;
	[dreg:$0x0] =	wrdreg $0x0  }
0xa8: {  	s5 =	sshll.u32 s28, $0x1;
	[dreg:$0x2] =	wrdreg s3  }
0xa9: {  	[dreg:$0x3] =	wrdreg s5  }
0xaa: {  	[dreg:$0x4] =	wrdreg $0xC0  }
0xab: {  	_ =	task [dreg:s7], $0x5FFFF  }
0xac: {  	[dreg:$0x1] =	wrdreg $0xFFFFFFFF  }
0xad: {  	[dreg:$0x0] =	wrdreg $0x60  }
0xae: {  	[dreg:$0x2] =	wrdreg s2  }
0xaf: {  	[dreg:$0x3] =	wrdreg s24  }
0xb0: {  	[dreg:$0x4] =	wrdreg $0xA  }
0xb1: {  	_ =	task.clear_ibuf [dreg:s7], $0x5FFFF;
	_ =	strace $0x90000046  }
0xb2: {  	s29 =	simm.s32 $0xA;
	_ =	strace $0x80000048  }
0xb3: {  	_ =	swait.ge [sflag:s29], $0x1  }
0xb4: {  	[sflag:s29] =	ssyncadd.s32 $0xFFFFFFFF  }
0xb5: {  	_ =	strace $0x90000048  }
0xb6: {  	_ =	sfence  }
0xb7: {  	s30 =	sld [smem:$0x0];
	_ =	sdelay $0x2  }
0xb8: {  	s31 =	sshll.u32 s1, $0xD;
	s1 =	sshrl.u32 s1, $0x2  }
0xb9: {  	s3 =	sand.u32 $0x4000, s31;
	s1 =	sadd.s32 s1, s30  }
0xba: {  	s0 =	sor.u32 s3, s0;
	s1 =	sshll.u32 s1, $0x11  }
0xbb: {  	s0 =	sor.u32 s1, s0  }
0xbc: {  	s0 =	sadd.s32 $0x8F2B, s0  }
0xbd: {  	[sflag:s0] =	ssyncadd.remote.s32 $0x1  }
0xbe: {  	_ =	sfence.sel $0xFFFF  }
0xbf: {  	[dreg:$0x0] =	wrdreg $0xFFFFFFFF;
	(pc) =	sbr.abs _section_cstart, $3  }
0xc0: {  	[dreg:$0x1] =	wrdreg $0xFFFFFFFF  }
0xc1: {  	_ =	task.clear_ibuf [dreg:s7], $0x2FFFF;
	_ =	strace $0x9FFFFFFF  }
0xc2: {  	(tm) =	ssettm $0x7FFFFFFF  }
0xc3: {  	_ =	shalt  }
tec
execute0_lowered:
.L_overlay_start_1:
0x0: {  	(tag) =	ssettag $0x1  }
0x1: {  	s1 =	srdreg.scid  }
0x2: {  	s3 =	rddreg [dreg:$0x0];
	s0 =	stileid.u32;
	s5 =	sand.u32 $0x1, s1  }
0x3: {  	s6 =	rddreg [dreg:$0x1];
	s4 =	sshll.u32 s0, $0x8;
	s7 =	sshll.u32 s5, $0x7  }
0x4: {  	s2 =	simm.s32 $0x0;
	s1 =	rddreg [dreg:$0x2];
	s7 =	sor.u32 s7, s4  }
0x5: {  	[smem:$0x7FF] =	sst s2;
	s4 =	sshrl.u32 s7, $0x3  }
0x6: {  	_ =	strace $0x80000047;
	s4 =	sadd.s32 s3, s4;
	s3 =	simm.s32 $0x2  }
0x7: {  	[tilespmem:s2], [sflag:$0x2] =	stream.linear.gather [hbm4b:s4+s2], $0x80, $0x38;
	[tilespmem:$0x4100] =	vst v63  }
0x8: {  	_ =	swait.ge [sflag:s3], $0x80  }
0x9: {  	[sflag:s3] =	ssyncset.done $0x0  }
0xa: {  	[sflag:s3] =	ssyncadd.s32 $0xFFFFFF80  }
0xb: {  	v0 =	vld [tilespmem:$0x60]  }
0xc: {  	v2 =	vld [tilespmem:$0x0]  }
0xd: {  	v1 =	vld [tilespmem:$0x10]  }
0xe: {  	v3 =	vld [tilespmem:$0x40]  }
0xf: {  	v5 =	vld [tilespmem:$0x30]  }
0x10: {  	s5 =	ssub.s32 $0x2, s5  }
0x11: {  	s8 =	sshrl.u32 s5, $0x1;
	v4 =	vld [tilespmem:$0x20];
	v6 =	vshra.s32 v0, $0x1;
	v0 =	vand.u32 $0x1FFF, v0;
	v9 =	vshra.s32 v2, $0x1  }
0x12: {  	s8 =	ssub.s32 s5, s8;
	v7 =	vld [tilespmem:$0x50];
	v8 =	vand.u32 $0x1FFF, v1;
	v6 =	vand.u32 $0xFFFFE000, v6;
	v9 =	vand.u32 $0xFFFFE000, v9  }
0x13: {  	s10 =	smax.u32 s8, $0x1;
	v6 =	vor.u32 v0, v6;
	v0 =	vshra.s32 v1, $0x1;
	v1 =	vand.u32 $0x1FFF, v2  }
0x14: {  	p0 =	sne.s32 s10, $0x1;
	v10 =	vand.u32 $0x1FFF, v3;
	v63 =	vand.u32 $0x1FFF, v5;
	v1 =	vor.u32 v1, v9  }
.Ltmp0:
0x15: {  	v5 =	vshra.s32 v5, $0x1;
	v3 =	vshra.s32 v3, $0x1;
	v2 =	vand.u32 $0xFFFFE000, v0;
	[tilespmem:$0x80] =	vst v1;
	v1 =	vld [tilespmem:$0x70];
	(pc) =	sbr.rel @!p0 .LBB2_2-.Ltmp0, $4  }
0x16: {  	v0 =	vand.u32 $0x1FFF, v4;
	[tilespmem:$0xE0] =	vst v6;
	v4 =	vshra.s32 v4, $0x1;
	v2 =	vor.u32 v8, v2  }
0x17: {  	s9 =	simm.s32 $0x1;
	s7 =	sshll.u32 s7, $0x4;
	v6 =	vand.u32 $0x1FFF, v7;
	[tilespmem:$0x90] =	vst v2;
	v2 =	vand.u32 $0xFFFFE000, v5;
	v5 =	vshra.s32 v7, $0x1  }
0x18: {  	s5 =	sadd.s32 $0x1400, s6;
	s6 =	sadd.s32 s7, s6;
	s7 =	simm.s32 $0x80;
	v7 =	vand.u32 $0xFFFFE000, v3;
	v2 =	vor.u32 v63, v2;
	v5 =	vand.u32 $0xFFFFE000, v5  }
0x19: {  	s8 =	simm.s32 $0x100;
	s6 =	sadd.s32 $0xE1400, s6;
	s10 =	sadd.s32 $0xFFFFFFFF, s10;
	v3 =	vand.u32 $0xFFFFE000, v4;
	[tilespmem:$0xB0] =	vst v2;
	v2 =	vor.u32 v10, v7;
	v4 =	vor.u32 v6, v5  }
.LBB2_1:
0x1a: {  	p0 =	sne.s32 s10, $0x1;
	s10 =	sadd.s32 $0xFFFFFFFF, s10;
	v0 =	vor.u32 v0, v3;
	[tilespmem:$0xD0] =	vst v4;
	v3 =	vshra.s32 v1, $0x1  }
0x1b: {  	v1 =	vand.u32 $0x1FFF, v1;
	[tilespmem:$0xA0] =	vst v0;
	v0 =	vand.u32 $0xFFFFE000, v3  }
0x1c: {  	[tilespmem:$0xC0] =	vst v2;
	v0 =	vor.u32 v1, v0  }
0x1d: {  	[tilespmem:$0xF0] =	vst v0  }
0x1e: {  	[tilespmem:s8], [sflag:$0x1] =	stream.indirect.gather [hbm4b:s5+s7], $0x80, s7, s7, $0xb8;
	[tilespmem:$0x4100] =	vst v63  }
0x1f: {  	_ =	swait.ge [sflag:s9], $0x4000  }
0x20: {  	[sflag:s9] =	ssyncset.done $0x0  }
0x21: {  	[sflag:s9] =	ssyncadd.s32 $0xFFFFC000  }
0x22: {  	[hbm4b:s6+s2] =	stream.linear.scatter [tilespmem:s8], [sflag:$0x2], $0x4000, $0x38;
	[tilespmem:$0x4100] =	vst v63  }
0x23: {  	_ =	swait.ge [sflag:s3], $0x4000  }
0x24: {  	[sflag:s3] =	ssyncset.done $0x0  }
0x25: {  	[sflag:s3] =	ssyncadd.s32 $0xFFFFC000  }
0x26: {  	[tilespmem:s2], [sflag:$0x2] =	stream.linear.gather [hbm4b:s4+s2], $0x80, $0x38;
	[tilespmem:$0x4100] =	vst v63  }
0x27: {  	_ =	swait.ge [sflag:s3], $0x80  }
0x28: {  	[sflag:s3] =	ssyncset.done $0x0  }
0x29: {  	[sflag:s3] =	ssyncadd.s32 $0xFFFFFF80  }
0x2a: {  	v0 =	vld [tilespmem:$0x60]  }
0x2b: {  	v2 =	vld [tilespmem:$0x10]  }
0x2c: {  	v3 =	vld [tilespmem:$0x0]  }
0x2d: {  	v4 =	vld [tilespmem:$0x40]  }
0x2e: {  	v5 =	vld [tilespmem:$0x20]  }
0x2f: {  	v6 =	vld [tilespmem:$0x30];
	v1 =	vshra.s32 v0, $0x1;
	v0 =	vand.u32 $0x1FFF, v0  }
0x30: {  	v7 =	vand.u32 $0x1FFF, v2;
	v8 =	vld [tilespmem:$0x50];
	v1 =	vand.u32 $0xFFFFE000, v1  }
0x31: {  	v9 =	vshra.s32 v3, $0x1;
	v10 =	vor.u32 v0, v1;
	v1 =	vld [tilespmem:$0x70]  }
0x32: {  	v0 =	vshra.s32 v2, $0x1;
	v9 =	vand.u32 $0xFFFFE000, v9;
	v2 =	vand.u32 $0x1FFF, v4  }
0x33: {  	v3 =	vand.u32 $0x1FFF, v3;
	v11 =	vand.u32 $0xFFFFE000, v0;
	v0 =	vand.u32 $0x1FFF, v5;
	[tilespmem:$0xE0] =	vst v10  }
.Ltmp1:
0x34: {  	v3 =	vor.u32 v3, v9;
	v7 =	vor.u32 v7, v11;
	v9 =	vand.u32 $0x1FFF, v6;
	(pc) =	sbr.rel @p0 .LBB2_1-.Ltmp1, $4  }
0x35: {  	v5 =	vshra.s32 v5, $0x1;
	v6 =	vshra.s32 v6, $0x1;
	[tilespmem:$0x90] =	vst v7;
	v7 =	vand.u32 $0x1FFF, v8  }
0x36: {  	v4 =	vshra.s32 v4, $0x1;
	[tilespmem:$0x80] =	vst v3;
	v3 =	vand.u32 $0xFFFFE000, v6;
	v6 =	vshra.s32 v8, $0x1  }
0x37: {  	v4 =	vand.u32 $0xFFFFE000, v4;
	v8 =	vor.u32 v9, v3;
	v6 =	vand.u32 $0xFFFFE000, v6  }
0x38: {  	v2 =	vor.u32 v2, v4;
	v3 =	vand.u32 $0xFFFFE000, v5;
	[tilespmem:$0xB0] =	vst v8;
	v4 =	vor.u32 v7, v6  }
.LBB2_2:
0x39: {  	[tilespmem:$0xD0] =	vst v4;
	v61 =	vshra.s32 v1, $0x1  }
0x3a: {  	v0 =	vor.u32 v0, v3;
	v63 =	vand.u32 $0x1FFF, v1;
	[tilespmem:$0xC0] =	vst v2;
	v62 =	vand.u32 $0xFFFFE000, v61  }
0x3b: {  	[tilespmem:$0xA0] =	vst v0;
	v0 =	vor.u32 v63, v62  }
0x3c: {  	[tilespmem:$0xF0] =	vst v0  }
0x3d: {  	[tilespmem:s8], [sflag:$0x1] =	stream.indirect.gather [hbm4b:s5+s7], $0x80, s7, s7, $0xb8;
	[tilespmem:$0x4100] =	vst v63  }
0x3e: {  	_ =	swait.ge [sflag:s9], $0x4000  }
0x3f: {  	[sflag:s9] =	ssyncset.done $0x0  }
0x40: {  	[sflag:s9] =	ssyncadd.s32 $0xFFFFC000  }
0x41: {  	[hbm4b:s6+s2] =	stream.linear.scatter [tilespmem:s8], [sflag:$0x2], $0x4000, $0x38;
	[tilespmem:$0x4100] =	vst v63  }
0x42: {  	_ =	swait.ge [sflag:s3], $0x4000  }
0x43: {  	[sflag:s3] =	ssyncset.done $0x0  }
0x44: {  	[sflag:s3] =	ssyncadd.s32 $0xFFFFC000  }
0x45: {  	_ =	sfence.sel $0x180000  }
0x46: {  	[bflag:$0x0] =	sbarrier.arrive $0xFFFF  }
0x47: {  	p0 =	sne.s32 s0, $0x0;
	_ =	strace $0x90000047  }
0x48: {  	s0 =	sadd.s32 @!p0 $0x100000, s1;
	[bflag:$0x2] =	sbarrier.arrive $0xFFFF  }
0x49: {  	[sflag:s0] =	ssyncadd.tile.s32 @!p0 $0x1;
	_ =	shalt  }
.Lfunc_end2:
_tile_overlayer_lowered:
.L_overlay_start_2:
0x4a: {  	(tag) =	ssettag $0x2  }
0x4b: {  	s0 =	rddreg [dreg:$0x0];
	s2 =	stileid.u32  }
0x4c: {  	s1 =	rddreg [dreg:$0x1];
	p0 =	sne.s32 s2, $0x0  }
0x4d: {  	s3 =	rddreg [dreg:$0x2];
	[bflag:$0x3] =	sbarrier.arrive $0xFFFF;
	s2 =	simm.s32 @!p0 $0x1C02  }
0x4e: {  	[timem:s3], [sflag:s2] =	dma.local @!p0 [hbm:s0], s1  }
0x4f: {  	s0 =	simm.s32 @!p0 $0x2  }
0x50: {  	_ =	swait.ge @!p0 [sflag:s0], s1  }
0x51: {  	s1 =	ssub.s32 @!p0 $0x0, s1;
	[sflag:s0] =	ssyncset.done @!p0 $0x0  }
0x52: {  	[sflag:s0] =	ssyncadd.s32 @!p0 s1  }
0x53: {  	[bflag:$0x3] =	sbarrier.arrive $0xFFFF  }
0x54: {  	_ =	shalt  }

// kernel: kernel.7.cloned.1.call-start
scs
__scs_entry_jumppad:
0x0: {  	(pc) =	sbr.rel $0x88, $3  }
0x1: {  	(tag) =	ssettag $0x0;
	lr =	simm.s32 $0x1  }
0x2: {  	[smem:$0x3F9B] =	sst lr;
	_ =	strace $0xD0000000  }
0x3: {  	_ = 	snop  }
0x4: {  	_ = 	snop  }
0x5: {  	_ = 	snop  }
0x6: {  	_ = 	snop  }
0x7: {  	_ = 	snop  }
__scs_overlays_trampoline_lowered:
0x8: {  	[smem:$0x3FAA] =	sst s0  }
0x9: {  	[smem:$0x3FAB] =	sst s1  }
0xa: {  	[smem:$0x3FAC] =	sst s2  }
0xb: {  	[smem:$0x3FAD] =	sst s3  }
0xc: {  	[smem:$0x3FAE] =	sst s4  }
0xd: {  	[smem:$0x3FAF] =	sst s5  }
0xe: {  	[smem:$0x3FB0] =	sst s6  }
0xf: {  	[smem:$0x3FB1] =	sst s7  }
0x10: {  	[smem:$0x3FB2] =	sst s8  }
0x11: {  	[smem:$0x3FB3] =	sst s9;
	s0 =	simm.s32 @!p0 $0x0  }
0x12: {  	s1 =	sld [smem:$0x3F99];
	s0 =	simm.s32 @p0 $0x1  }
0x13: {  	[smem:$0x3FB4] =	sst s0;
	s0 =	simm.s32 @!p1 $0x0  }
0x14: {  	s2 =	sld [smem:$0x3F98];
	s0 =	simm.s32 @p1 $0x1  }
0x15: {  	[smem:$0x3FB5] =	sst s0;
	s0 =	simm.s32 @!p2 $0x0  }
0x16: {  	s3 =	sld [smem:$0x3FDB];
	s0 =	simm.s32 @p2 $0x1  }
0x17: {  	s4 =	simm.s32 $0x1BF5;
	[smem:$0x3FB7] =	sst s0  }
0x18: {  	s0 =	sld [smem:$0x3F9A];
	_ =	swait.ge [sflag:s4], $0x0  }
0x19: {  	s7 =	sld [smem:$0x3F9B]  }
0x1a: {  	s8 =	sadd.s32 $0xFFFFE003, lr  }
0x1b: {  	s9 =	sadd.s32 $0xFFFFFEF7, lr;
	s5 =	simm.s32 $0xFFFFFFFF;
	p2 =	slt.u32 s8, $0xFFFFF086  }
0x1c: {  	p1 =	slt.u32 s9, $0xF7A;
	s5 =	simm.s32 @!p2 $0x0  }
0x1d: {  	s5 =	simm.s32 @p1 $0x1;
	p0 =	seq.s32 s7, s2  }
0x1e: {  	s7 =	smul.u32 @!p0 $0xF7A, s2;
	p2 =	seq.s32 @!p0 s5, $0x0  }
0x1f: {  	s9 =	smul.u32 $0xF7A, s1;
	s8 =	simm.s32 @!p0 $0x1BF5;
	p2 =	por !p2, p0  }
0x20: {  	[sflag:s8] =	ssyncset.s32 @!p0 $0xFFFFF086;
	s6 =	sadd.s32 @!p0 s3, s7;
	s7 =	simm.s32 @!p0 $0x108  }
0x21: {  	s3 =	sadd.s32 s3, s9;
	s6 =	sadd.s32 @!p0 $0x88, s6;
	s7 =	simm.s32 @p2 $0x1082  }
0x22: {  	[simem:s7], [sflag:s8] =	dma.local @!p0 [hbm:s6], $0xF7A  }
0x23: {  	s9 =	sor.u32 $0xD0000000, s2;
	s6 =	simm.s32 $0x108;
	_ =	swait.ge @!p0 [sflag:s8], $0x0  }
0x24: {  	s3 =	sadd.s32 $0x88, s3;
	s6 =	simm.s32 @!p1 $0x1082;
	[sflag:s4] =	ssyncset.s32 $0xFFFFF086  }
0x25: {  	[simem:s6], [sflag:s4] =	dma.local [hbm:s3], $0xF7A  }
0x26: {  	[smem:$0x3F9B] =	sst s1;
	(tag) =	ssettag s2;
	_ =	strace s9  }
0x27: {  	s1 =	sld [smem:$0x3FAB]  }
0x28: {  	s2 =	sld [smem:$0x3FAC]  }
0x29: {  	s4 =	sld [smem:$0x3FAE]  }
0x2a: {  	p0 =	seq.s32 s5, $0x0;
	s5 =	sld [smem:$0x3FAF]  }
0x2b: {  	s6 =	sld [smem:$0x3FB0]  }
0x2c: {  	s7 =	sld [smem:$0x3FB1]  }
0x2d: {  	s3 =	simm.s32 $0x108;
	s8 =	sld [smem:$0x3FB2]  }
0x2e: {  	s3 =	simm.s32 @!p0 $0x1082;
	s9 =	sld [smem:$0x3FB3]  }
0x2f: {  	lr =	sadd.s32 s0, s3;
	s0 =	sld [smem:$0x3FAA]  }
0x30: {  	s3 =	sld [smem:$0x3FAD]  }
0x31: {  	[smem:$0x3FB6] =	sst s10  }
0x32: {  	s10 =	sld [smem:$0x3FB4];
	_ =	sdelay $0x3  }
0x33: {  	p0 =	seq.s32 s10, $0x1;
	s10 =	sld [smem:$0x3FB6];
	_ =	sdelay $0x3  }
0x34: {  	[smem:$0x3FB6] =	sst s10  }
0x35: {  	s10 =	sld [smem:$0x3FB5];
	_ =	sdelay $0x3  }
0x36: {  	p1 =	seq.s32 s10, $0x1;
	s10 =	sld [smem:$0x3FB6];
	_ =	sdelay $0x3  }
0x37: {  	[smem:$0x3FB6] =	sst s10  }
0x38: {  	s10 =	sld [smem:$0x3FB7]  }
0x39: {  	_ = 	snop;
	(pc) =	sbr.ind lr, $3  }
0x3a: {  	_ = 	snop  }
0x3b: {  	_ = 	snop  }
0x3c: {  	p2 =	seq.s32 s10, $0x1;
	s10 =	sld [smem:$0x3FB6]  }
0x3d: {  	_ =	shalt  }
0x3e: {  	_ =	shalt  }
0x3f: {  	_ =	shalt  }
0x40: {  	_ =	shalt  }
0x41: {  	_ =	shalt  }
0x42: {  	_ =	shalt  }
0x43: {  	_ =	shalt  }
0x44: {  	_ =	shalt  }
0x45: {  	_ =	shalt  }
0x46: {  	_ =	shalt  }
0x47: {  	_ =	shalt  }
0x48: {  	_ =	shalt  }
0x49: {  	_ =	shalt  }
0x4a: {  	_ =	shalt  }
0x4b: {  	_ =	shalt  }
0x4c: {  	_ =	shalt  }
0x4d: {  	_ =	shalt  }
0x4e: {  	_ =	shalt  }
0x4f: {  	_ =	shalt  }
0x50: {  	_ =	shalt  }
0x51: {  	_ =	shalt  }
0x52: {  	_ =	shalt  }
0x53: {  	_ =	shalt  }
0x54: {  	_ =	shalt  }
0x55: {  	_ =	shalt  }
0x56: {  	_ =	shalt  }
0x57: {  	_ =	shalt  }
0x58: {  	_ =	shalt  }
0x59: {  	_ =	shalt  }
0x5a: {  	_ =	shalt  }
0x5b: {  	_ =	shalt  }
0x5c: {  	_ =	shalt  }
0x5d: {  	_ =	shalt  }
0x5e: {  	_ =	shalt  }
0x5f: {  	_ =	shalt  }
0x60: {  	_ =	shalt  }
0x61: {  	_ =	shalt  }
0x62: {  	_ =	shalt  }
0x63: {  	_ =	shalt  }
0x64: {  	_ =	shalt  }
0x65: {  	_ =	shalt  }
0x66: {  	_ =	shalt  }
0x67: {  	_ =	shalt  }
0x68: {  	_ =	shalt  }
0x69: {  	_ =	shalt  }
0x6a: {  	_ =	shalt  }
0x6b: {  	_ =	shalt  }
0x6c: {  	_ =	shalt  }
0x6d: {  	_ =	shalt  }
0x6e: {  	_ =	shalt  }
0x6f: {  	_ =	shalt  }
0x70: {  	_ =	shalt  }
0x71: {  	_ =	shalt  }
0x72: {  	_ =	shalt  }
0x73: {  	_ =	shalt  }
0x74: {  	_ =	shalt  }
0x75: {  	_ =	shalt  }
0x76: {  	_ =	shalt  }
0x77: {  	_ =	shalt  }
0x78: {  	_ =	shalt  }
0x79: {  	_ =	shalt  }
0x7a: {  	_ =	shalt  }
0x7b: {  	_ =	shalt  }
0x7c: {  	_ =	shalt  }
0x7d: {  	_ =	shalt  }
0x7e: {  	_ =	shalt  }
0x7f: {  	_ =	shalt  }
0x80: {  	_ =	shalt  }
0x81: {  	_ =	shalt  }
0x82: {  	_ =	shalt  }
0x83: {  	_ =	shalt  }
0x84: {  	_ =	shalt  }
0x85: {  	_ =	shalt  }
0x86: {  	_ =	shalt  }
0x87: {  	_ =	shalt  }
.Lfunc_end0:
.L_simem_size_0:
called_computation_lowered:
.L_overlay_start_0:
0x88: {  	s2 =	sld [smem:$0x3FD9]  }
0x89: {  	s3 =	sld [smem:$0x3FFE];
	_ =	sdelay $0x1  }
0x8a: {  	s1 =	srdreg.scid  }
0x8b: {  	s0 =	sand.u32 $0x1, s1  }
0x8c: {  	s17 =	sshll.u32 s0, $0xA;
	s2 =	sadd.s32 s3, s2  }
0x8d: {  	s2 =	sadd.s32 s2, s17  }
0x8e: {  	[smem:$0x3FC2] =	sst s2  }
0x8f: {  	_ = 	snop  }
0x90: {  	s18 =	sld [smem:$0x3FC9];
	(tm) =	ssettm $0x1  }
0x91: {  	s19 =	sld [smem:$0x3FFB];
	_ =	sdelay $0x3  }
0x92: {  	_ =	strace s19  }
0x93: {  	s2 =	sld [smem:$0x3FFC];
	_ =	sdelay $0x3  }
0x94: {  	_ =	strace s2  }
0x95: {  	s2 =	sld [smem:$0x3FFD];
	_ =	sdelay $0x3  }
0x96: {  	_ =	strace s2  }
0x97: {  	_ =	strace $0x8FFFFFFF  }
0x98: {  	s20 =	sld [smem:$0x3FDB];
	_ =	sdelay $0x1  }
0x99: {  	s4 =	simm.s32 $_scs_section_size  }
0x9a: {  	s5 =	simm.s32 $_size__tile_overlayer_lowered;
	s6 =	simm.s32 $_tile_overlayer_lowered  }
0x9b: {  	s7 =	simm.s32 $0x1BFF;
	s21 =	sshll.u32 s6, $0x1;
	s4 =	sadd.s32 s4, s20  }
0x9c: {  	s22 =	simm.s32 $0x0;
	s5 =	sshll.u32 s5, $0x1;
	s6 =	sadd.s32 s21, s4  }
0x9d: {  	[timem:s22], [sflag:s7] =	dma.local [hbm:s6], s5  }
0x9e: {  	_ =	swait.ge [sflag:s7], s5  }
0x9f: {  	s5 =	ssub.s32 $0x0, s5;
	[sflag:s7] =	ssyncset.done $0x0  }
0xa0: {  	[sflag:s7] =	ssyncadd.s32 s5;
	_ =	sdelay $0x1  }
0xa1: {  	s23 =	simm.s32 $0x1B8B  }
0xa2: {  	_ =	swait.ge [sflag:s23], $0x1  }
0xa3: {  	[sflag:s23] =	ssyncset.done $0x0  }
0xa4: {  	[sflag:s23] =	ssyncadd.s32 $0xFFFFFFFF  }
0xa5: {  	s5 =	sld [smem:$0x0]  }
0xa6: {  	s6 =	sand.u32 $0xFFFFFFFE, s1  }
0xa7: {  	p0 =	sne.s32 s1, s6  }
0xa8: {  	s6 =	sshll.u32 @p0 s6, $0xE  }
0xa9: {  	s6 =	sadd.s32 @p0 $0x11B8D, s6;
	s7 =	sshll.u32 @p0 s5, $0x11  }
0xaa: {  	s6 =	sor.u32 @p0 s7, s6  }
0xab: {  	[sflag:s6] =	ssyncadd.remote.s32 @p0 $0x1;
	_ =	sdelay $0x1  }
0xac: {  	s6 =	simm.s32 @p0 $0x1B8D  }
0xad: {  	_ =	swait.eq @p0 [sflag:s6], $0x1  }
0xae: {  	[sflag:s6] =	ssyncadd.s32 @p0 $0xFFFFFFFF  }
0xaf: {  	s7 =	sshll.u32 @!p0 s1, $0xE  }
0xb0: {  	s7 =	sor.u32 @!p0 $0x4000, s7;
	s6 =	simm.s32 @!p0 $0x1B8D  }
0xb1: {  	s5 =	sshll.u32 @!p0 s5, $0x11;
	s7 =	sadd.s32 @!p0 $0x11B8D, s7;
	_ =	swait.eq @!p0 [sflag:s6], $0x1  }
0xb2: {  	s5 =	sor.u32 @!p0 s5, s7;
	[sflag:s6] =	ssyncadd.s32 @!p0 $0xFFFFFFFF  }
0xb3: {  	s25 =	simm.s32 $0x1B8E;
	s24 =	sld [smem:$0x3FFE];
	[sflag:s5] =	ssyncadd.remote.s32 @!p0 $0x1  }
0xb4: {  	s26 =	simm.s32 $execute0_lowered;
	[smem:$0x3FD2] =	sst s25  }
0xb5: {  	s6 =	sshll.u32 s26, $0x1;
	_ =	strace $0x80000049;
	[dreg:$0x1] =	wrdreg $0xFFFFFFFF  }
0xb6: {  	s28 =	simm.s32 $_size_execute0_lowered;
	s4 =	sadd.s32 s4, s6;
	[dreg:$0x0] =	wrdreg $0x0  }
0xb7: {  	s6 =	sshll.u32 s28, $0x1;
	[dreg:$0x2] =	wrdreg s4  }
0xb8: {  	[dreg:$0x3] =	wrdreg s6  }
0xb9: {  	[dreg:$0x4] =	wrdreg $0xC0  }
0xba: {  	_ =	task [dreg:s22], $0x5FFFF  }
0xbb: {  	[dreg:$0x1] =	wrdreg $0xFFFFFFFF  }
0xbc: {  	[dreg:$0x0] =	wrdreg $0x60  }
0xbd: {  	[dreg:$0x2] =	wrdreg s18  }
0xbe: {  	[dreg:$0x3] =	wrdreg s24  }
0xbf: {  	[dreg:$0x4] =	wrdreg $0x9  }
0xc0: {  	_ =	task.clear_ibuf [dreg:s22], $0x5FFFF;
	_ =	strace $0x90000049  }
0xc1: {  	s29 =	simm.s32 $0x9;
	_ =	strace $0x8000004B  }
0xc2: {  	_ =	swait.ge [sflag:s29], $0x1  }
0xc3: {  	[sflag:s29] =	ssyncadd.s32 $0xFFFFFFFF  }
0xc4: {  	_ =	strace $0x9000004B  }
0xc5: {  	_ =	sfence  }
0xc6: {  	s30 =	sld [smem:$0x0];
	_ =	sdelay $0x2  }
0xc7: {  	s31 =	sshll.u32 s1, $0xD;
	s1 =	sshrl.u32 s1, $0x2  }
0xc8: {  	s4 =	sand.u32 $0x4000, s31;
	s1 =	sadd.s32 s1, s30  }
0xc9: {  	s0 =	sor.u32 s4, s0;
	s1 =	sshll.u32 s1, $0x11  }
0xca: {  	s0 =	sor.u32 s1, s0  }
0xcb: {  	s0 =	sadd.s32 $0x8F2B, s0  }
0xcc: {  	[sflag:s0] =	ssyncadd.remote.s32 $0x1  }
0xcd: {  	_ =	sfence.sel $0xFFFF  }
0xce: {  	[dreg:$0x0] =	wrdreg $0xFFFFFFFF;
	(pc) =	sbr.abs _section_cstart, $3  }
0xcf: {  	[dreg:$0x1] =	wrdreg $0xFFFFFFFF  }
0xd0: {  	_ =	task.clear_ibuf [dreg:s22], $0x2FFFF;
	_ =	strace $0x9FFFFFFF  }
0xd1: {  	(tm) =	ssettm $0x7FFFFFFF  }
tec
execute0_lowered:
.L_overlay_start_1:
0x0: {  	(tag) =	ssettag $0x1  }
0x1: {  	s1 =	srdreg.scid  }
0x2: {  	s3 =	rddreg [dreg:$0x0];
	s0 =	stileid.u32;
	s5 =	sand.u32 $0x1, s1  }
0x3: {  	s6 =	rddreg [dreg:$0x1];
	s4 =	sshll.u32 s0, $0x8;
	s7 =	sshll.u32 s5, $0x7  }
0x4: {  	s2 =	simm.s32 $0x0;
	s1 =	rddreg [dreg:$0x2];
	s7 =	sor.u32 s7, s4  }
0x5: {  	[smem:$0x7FF] =	sst s2;
	s4 =	sshrl.u32 s7, $0x3  }
0x6: {  	_ =	strace $0x8000004A;
	s4 =	sadd.s32 s3, s4;
	s3 =	simm.s32 $0x2  }
0x7: {  	[tilespmem:s2], [sflag:$0x2] =	stream.linear.gather [hbm4b:s4+s2], $0x80, $0x38;
	[tilespmem:$0x4100] =	vst v63  }
0x8: {  	_ =	swait.ge [sflag:s3], $0x80  }
0x9: {  	[sflag:s3] =	ssyncset.done $0x0  }
0xa: {  	[sflag:s3] =	ssyncadd.s32 $0xFFFFFF80  }
0xb: {  	v0 =	vld [tilespmem:$0x60]  }
0xc: {  	v2 =	vld [tilespmem:$0x0]  }
0xd: {  	v1 =	vld [tilespmem:$0x10]  }
0xe: {  	v3 =	vld [tilespmem:$0x40]  }
0xf: {  	v5 =	vld [tilespmem:$0x30]  }
0x10: {  	s5 =	ssub.s32 $0x2, s5  }
0x11: {  	s8 =	sshrl.u32 s5, $0x1;
	v4 =	vld [tilespmem:$0x20];
	v6 =	vshra.s32 v0, $0x1;
	v0 =	vand.u32 $0x1FFF, v0;
	v9 =	vshra.s32 v2, $0x1  }
0x12: {  	s8 =	ssub.s32 s5, s8;
	v7 =	vld [tilespmem:$0x50];
	v8 =	vand.u32 $0x1FFF, v1;
	v6 =	vand.u32 $0xFFFFE000, v6;
	v9 =	vand.u32 $0xFFFFE000, v9  }
0x13: {  	s10 =	smax.u32 s8, $0x1;
	v6 =	vor.u32 v0, v6;
	v0 =	vshra.s32 v1, $0x1;
	v1 =	vand.u32 $0x1FFF, v2  }
0x14: {  	p0 =	sne.s32 s10, $0x1;
	v10 =	vand.u32 $0x1FFF, v3;
	v63 =	vand.u32 $0x1FFF, v5;
	v1 =	vor.u32 v1, v9  }
.Ltmp0:
0x15: {  	v5 =	vshra.s32 v5, $0x1;
	v3 =	vshra.s32 v3, $0x1;
	v2 =	vand.u32 $0xFFFFE000, v0;
	[tilespmem:$0x80] =	vst v1;
	v1 =	vld [tilespmem:$0x70];
	(pc) =	sbr.rel @!p0 .LBB2_2-.Ltmp0, $4  }
0x16: {  	v0 =	vand.u32 $0x1FFF, v4;
	[tilespmem:$0xE0] =	vst v6;
	v4 =	vshra.s32 v4, $0x1;
	v2 =	vor.u32 v8, v2  }
0x17: {  	s9 =	simm.s32 $0x1;
	s7 =	sshll.u32 s7, $0x4;
	v6 =	vand.u32 $0x1FFF, v7;
	[tilespmem:$0x90] =	vst v2;
	v2 =	vand.u32 $0xFFFFE000, v5;
	v5 =	vshra.s32 v7, $0x1  }
0x18: {  	s5 =	sadd.s32 $0xF1400, s6;
	s6 =	sadd.s32 s7, s6;
	s7 =	simm.s32 $0x80;
	v7 =	vand.u32 $0xFFFFE000, v3;
	v2 =	vor.u32 v63, v2;
	v5 =	vand.u32 $0xFFFFE000, v5  }
0x19: {  	s8 =	simm.s32 $0x100;
	s6 =	sadd.s32 $0x1D1400, s6;
	s10 =	sadd.s32 $0xFFFFFFFF, s10;
	v3 =	vand.u32 $0xFFFFE000, v4;
	[tilespmem:$0xB0] =	vst v2;
	v2 =	vor.u32 v10, v7;
	v4 =	vor.u32 v6, v5  }
.LBB2_1:
0x1a: {  	p0 =	sne.s32 s10, $0x1;
	s10 =	sadd.s32 $0xFFFFFFFF, s10;
	v0 =	vor.u32 v0, v3;
	[tilespmem:$0xD0] =	vst v4;
	v3 =	vshra.s32 v1, $0x1  }
0x1b: {  	v1 =	vand.u32 $0x1FFF, v1;
	[tilespmem:$0xA0] =	vst v0;
	v0 =	vand.u32 $0xFFFFE000, v3  }
0x1c: {  	[tilespmem:$0xC0] =	vst v2;
	v0 =	vor.u32 v1, v0  }
0x1d: {  	[tilespmem:$0xF0] =	vst v0  }
0x1e: {  	[tilespmem:s8], [sflag:$0x1] =	stream.indirect.gather [hbm4b:s5+s7], $0x80, s7, s7, $0xb8;
	[tilespmem:$0x4100] =	vst v63  }
0x1f: {  	_ =	swait.ge [sflag:s9], $0x4000  }
0x20: {  	[sflag:s9] =	ssyncset.done $0x0  }
0x21: {  	[sflag:s9] =	ssyncadd.s32 $0xFFFFC000  }
0x22: {  	[hbm4b:s6+s2] =	stream.linear.scatter [tilespmem:s8], [sflag:$0x2], $0x4000, $0x38;
	[tilespmem:$0x4100] =	vst v63  }
0x23: {  	_ =	swait.ge [sflag:s3], $0x4000  }
0x24: {  	[sflag:s3] =	ssyncset.done $0x0  }
0x25: {  	[sflag:s3] =	ssyncadd.s32 $0xFFFFC000  }
0x26: {  	[tilespmem:s2], [sflag:$0x2] =	stream.linear.gather [hbm4b:s4+s2], $0x80, $0x38;
	[tilespmem:$0x4100] =	vst v63  }
0x27: {  	_ =	swait.ge [sflag:s3], $0x80  }
0x28: {  	[sflag:s3] =	ssyncset.done $0x0  }
0x29: {  	[sflag:s3] =	ssyncadd.s32 $0xFFFFFF80  }
0x2a: {  	v0 =	vld [tilespmem:$0x60]  }
0x2b: {  	v2 =	vld [tilespmem:$0x10]  }
0x2c: {  	v3 =	vld [tilespmem:$0x0]  }
0x2d: {  	v4 =	vld [tilespmem:$0x40]  }
0x2e: {  	v5 =	vld [tilespmem:$0x20]  }
0x2f: {  	v6 =	vld [tilespmem:$0x30];
	v1 =	vshra.s32 v0, $0x1;
	v0 =	vand.u32 $0x1FFF, v0  }
0x30: {  	v7 =	vand.u32 $0x1FFF, v2;
	v8 =	vld [tilespmem:$0x50];
	v1 =	vand.u32 $0xFFFFE000, v1  }
0x31: {  	v9 =	vshra.s32 v3, $0x1;
	v10 =	vor.u32 v0, v1;
	v1 =	vld [tilespmem:$0x70]  }
0x32: {  	v0 =	vshra.s32 v2, $0x1;
	v9 =	vand.u32 $0xFFFFE000, v9;
	v2 =	vand.u32 $0x1FFF, v4  }
0x33: {  	v3 =	vand.u32 $0x1FFF, v3;
	v11 =	vand.u32 $0xFFFFE000, v0;
	v0 =	vand.u32 $0x1FFF, v5;
	[tilespmem:$0xE0] =	vst v10  }
.Ltmp1:
0x34: {  	v3 =	vor.u32 v3, v9;
	v7 =	vor.u32 v7, v11;
	v9 =	vand.u32 $0x1FFF, v6;
	(pc) =	sbr.rel @p0 .LBB2_1-.Ltmp1, $4  }
0x35: {  	v5 =	vshra.s32 v5, $0x1;
	v6 =	vshra.s32 v6, $0x1;
	[tilespmem:$0x90] =	vst v7;
	v7 =	vand.u32 $0x1FFF, v8  }
0x36: {  	v4 =	vshra.s32 v4, $0x1;
	[tilespmem:$0x80] =	vst v3;
	v3 =	vand.u32 $0xFFFFE000, v6;
	v6 =	vshra.s32 v8, $0x1  }
0x37: {  	v4 =	vand.u32 $0xFFFFE000, v4;
	v8 =	vor.u32 v9, v3;
	v6 =	vand.u32 $0xFFFFE000, v6  }
0x38: {  	v2 =	vor.u32 v2, v4;
	v3 =	vand.u32 $0xFFFFE000, v5;
	[tilespmem:$0xB0] =	vst v8;
	v4 =	vor.u32 v7, v6  }
.LBB2_2:
0x39: {  	[tilespmem:$0xD0] =	vst v4;
	v61 =	vshra.s32 v1, $0x1  }
0x3a: {  	v0 =	vor.u32 v0, v3;
	v63 =	vand.u32 $0x1FFF, v1;
	[tilespmem:$0xC0] =	vst v2;
	v62 =	vand.u32 $0xFFFFE000, v61  }
0x3b: {  	[tilespmem:$0xA0] =	vst v0;
	v0 =	vor.u32 v63, v62  }
0x3c: {  	[tilespmem:$0xF0] =	vst v0  }
0x3d: {  	[tilespmem:s8], [sflag:$0x1] =	stream.indirect.gather [hbm4b:s5+s7], $0x80, s7, s7, $0xb8;
	[tilespmem:$0x4100] =	vst v63  }
0x3e: {  	_ =	swait.ge [sflag:s9], $0x4000  }
0x3f: {  	[sflag:s9] =	ssyncset.done $0x0  }
0x40: {  	[sflag:s9] =	ssyncadd.s32 $0xFFFFC000  }
0x41: {  	[hbm4b:s6+s2] =	stream.linear.scatter [tilespmem:s8], [sflag:$0x2], $0x4000, $0x38;
	[tilespmem:$0x4100] =	vst v63  }
0x42: {  	_ =	swait.ge [sflag:s3], $0x4000  }
0x43: {  	[sflag:s3] =	ssyncset.done $0x0  }
0x44: {  	[sflag:s3] =	ssyncadd.s32 $0xFFFFC000  }
0x45: {  	_ =	sfence.sel $0x180000  }
0x46: {  	[bflag:$0x0] =	sbarrier.arrive $0xFFFF  }
0x47: {  	p0 =	sne.s32 s0, $0x0;
	_ =	strace $0x9000004A  }
0x48: {  	s0 =	sadd.s32 @!p0 $0x100000, s1;
	[bflag:$0x2] =	sbarrier.arrive $0xFFFF  }
0x49: {  	[sflag:s0] =	ssyncadd.tile.s32 @!p0 $0x1;
	_ =	shalt  }
.Lfunc_end2:
_tile_overlayer_lowered:
.L_overlay_start_2:
0x4a: {  	(tag) =	ssettag $0x2  }
0x4b: {  	s0 =	rddreg [dreg:$0x0];
	s2 =	stileid.u32  }
0x4c: {  	s1 =	rddreg [dreg:$0x1];
	p0 =	sne.s32 s2, $0x0  }
0x4d: {  	s3 =	rddreg [dreg:$0x2];
	[bflag:$0x3] =	sbarrier.arrive $0xFFFF;
	s2 =	simm.s32 @!p0 $0x1C02  }
0x4e: {  	[timem:s3], [sflag:s2] =	dma.local @!p0 [hbm:s0], s1  }
0x4f: {  	s0 =	simm.s32 @!p0 $0x2  }
0x50: {  	_ =	swait.ge @!p0 [sflag:s0], s1  }
0x51: {  	s1 =	ssub.s32 @!p0 $0x0, s1;
	[sflag:s0] =	ssyncset.done @!p0 $0x0  }
0x52: {  	[sflag:s0] =	ssyncadd.s32 @!p0 s1  }
0x53: {  	[bflag:$0x3] =	sbarrier.arrive $0xFFFF  }
0x54: {  	_ =	shalt  }

</sc_bundles>
